<compile_context>
chip_gen: v7x
topology: tpu7x:2x2x1
jax: 0.10.2.dev20260603
libtpu: 0.0.44.dev20260713+nightly
codegen_flags: <defaults>
</compile_context>

<pallas_src>
import functools

import jax
import jax.numpy as jnp
from jax import lax
from jax.experimental import pallas as pl
from jax.experimental.pallas import tpu as pltpu
from jax.experimental.pallas import tpu_sc as plsc

_DIM = 128
_B = 4096 * 50
_NC = 2
_NS = 16
_NW = _NC * _NS
_BPW = _B // _NW
_CHUNK = 128
_NCHUNK = _BPW // _CHUNK
_NBUF = 5
_S = 2
_NGROUP = _NCHUNK // _NBUF


def _make_emb():
    mesh = plsc.VectorSubcoreMesh(core_axis_name="c", subcore_axis_name="s")

    @functools.partial(
        pl.kernel,
        mesh=mesh,
        out_type=jax.ShapeDtypeStruct((_B, _DIM), jnp.float32),
        scratch_types=[
            pltpu.VMEM((_NCHUNK, _CHUNK), jnp.int32),
            pltpu.VMEM((_NBUF, _CHUNK, _DIM), jnp.float32),
            pltpu.SemaphoreType.DMA((_NBUF,)),
            pltpu.SemaphoreType.DMA((_NBUF,)),
        ],
    )
    def emb(idx_hbm, table_hbm, out_hbm, idx_v, rows_v, gsem, ssem):
        wid = lax.axis_index("s") * _NC + lax.axis_index("c")
        base = wid * _BPW
        pltpu.sync_copy(idx_hbm.at[wid], idx_v)

        def fire_gather(c, b):
            pltpu.async_copy(table_hbm.at[idx_v.at[c]], rows_v.at[b], gsem.at[b])

        def wait_gather(c, b):
            pltpu.make_async_copy(
                table_hbm.at[idx_v.at[c]], rows_v.at[b], gsem.at[b]
            ).wait()

        def out_slice(c):
            return out_hbm.at[pl.ds(base + c * _CHUNK, _CHUNK)]

        def fire_store(c, b):
            pltpu.async_copy(rows_v.at[b], out_slice(c), ssem.at[b])

        def wait_store(c, b):
            pltpu.make_async_copy(rows_v.at[b], out_slice(c), ssem.at[b]).wait()

        for c in range(_NBUF - _S):
            fire_gather(c, c % _NBUF)

        for b in range(_NBUF):
            c = b
            if c - _S >= 0:
                wait_store(c - _S, (c - _S) % _NBUF)
            fire_gather(c + _NBUF - _S, (c - _S) % _NBUF)
            wait_gather(c, b)
            fire_store(c, b)

        def body(g, carry):
            for b in range(_NBUF):
                c = g * _NBUF + b
                pb = (b - _S) % _NBUF
                wait_store(c - _S, pb)
                fire_gather(c + _NBUF - _S, pb)
                wait_gather(c, b)
                fire_store(c, b)
            return carry

        lax.fori_loop(1, _NGROUP - 1, body, 0)

        for b in range(_NBUF):
            c = (_NGROUP - 1) * _NBUF + b
            pb = (b - _S) % _NBUF
            wait_store(c - _S, pb)
            if c + _NBUF - _S < _NCHUNK:
                fire_gather(c + _NBUF - _S, pb)
            wait_gather(c, b)
            fire_store(c, b)
        for c in range(_NCHUNK - _S, _NCHUNK):
            wait_store(c, c % _NBUF)

    return emb


_EMB = _make_emb()


@jax.jit
def kernel(sentence_lists, glove_weight):
    idx = sentence_lists.reshape(_NW, _NCHUNK, _CHUNK).astype(jnp.int32)
    out = _EMB(idx, glove_weight)
    return out.reshape(sentence_lists.shape + (_DIM,))

# --- scband reference (transcript-rebuilt; emitter-appended) ---
"""Pipeline reference for scband-embedder-22351009808633 (READ-ONLY COPY).

The authoritative reference and input builder live on the scoring server;
editing this copy changes nothing except your own understanding.
"""

import jax, jax.numpy as jnp
import numpy as np

VOCAB = 100000
DIM = 128

def setup_inputs(seed: int = 0) -> dict:
    key = jax.random.key(seed)
    k1, k2 = jax.random.split(key)
    sentence_lists = jax.random.randint(k1, (4096, 50), 0, VOCAB, dtype=jnp.int64 if jax.config.jax_enable_x64 else jnp.int32)
    glove_weight = jax.random.normal(k2, (VOCAB, DIM), dtype=jnp.float32)
    return {"sentence_lists": sentence_lists, "glove_weight": glove_weight}

def reference(sentence_lists, glove_weight):
    # Embedder.forward with emb_method='glove', use_id=True:
    # embeddings = self.glove(sentence_lists)
    embeddings = jnp.take(glove_weight, sentence_lists, axis=0)
    return embeddings

if __name__ == "__main__":
    import jax
    _d = setup_inputs()
    print(jax.jit(kernel)(*tuple(_d.values())))

</pallas_src>

<mosaic_0001>
#map = affine_map<(d0, d1) -> (0, 0, 0)>
#map1 = affine_map<(d0, d1) -> (0, 0)>
module attributes {stable_mosaic.version = 14 : i64} {
  func.func @emb(%arg0: i32, %arg1: i32, %arg2: memref<32x50x128xi32, #tpu.memory_space<hbm>>, %arg3: memref<100000x128xf32, #tpu.memory_space<hbm>>, %arg4: memref<204800x128xf32, #tpu.memory_space<hbm>>, %arg5: memref<50x128xi32, #tpu.memory_space<vmem>>, %arg6: memref<5x128x128xf32, #tpu.memory_space<vmem>>, %arg7: memref<5x!tpu.dma_semaphore, #tpu.memory_space<semaphore_mem>>, %arg8: memref<5x!tpu.dma_semaphore, #tpu.memory_space<semaphore_mem>>) attributes {dimension_semantics = [#tpu.dimension_semantics<core_parallel>, #tpu.dimension_semantics<subcore_parallel>], iteration_bounds = array<i64: 2, 16>, scalar_prefetch = 0 : i64, scratch_operands = 4 : i64, tpu.core_type = #tpu.core_type<sc_vector_subcore>, window_params = [{transform_indices = #map}, {transform_indices = #map1}, {transform_indices = #map1}]} {
    %mul3A = arith.constant 2 : i32
    %mul3A_0 = arith.muli %arg1, %mul3A : i32
    %add3A = arith.addi %mul3A_0, %arg0 : i32
    %mul3A_1 = arith.constant 6400 : i32
    %mul3A_2 = arith.muli %add3A, %mul3A_1 : i32
    "tpu.region"() ({
      %run_scoped3A = tpu.sem_alloc : memref<!tpu.dma_semaphore, #tpu.memory_space<semaphore_mem>>
      %dma_start3A_666 = arith.constant 0 : i32
      %dma_start3A_667 = arith.constant 0 : i32
      %dma_start3A_668 = tpu.memref_slice %arg2[%add3A, %dma_start3A_666, %dma_start3A_667] : memref<32x50x128xi32, #tpu.memory_space<hbm>> -> memref<1x50x128xi32, #tpu.memory_space<hbm>>
      %dma_start3A_669 = tpu.memref_squeeze %dma_start3A_668 : memref<1x50x128xi32, #tpu.memory_space<hbm>> -> memref<50x128xi32, #tpu.memory_space<hbm>>
      %dma_start3A_670 = arith.constant 0 : i32
      %dma_start3A_671 = arith.constant 0 : i32
      %dma_start3A_672 = tpu.memref_slice %arg2[%add3A, %dma_start3A_670, %dma_start3A_671] : memref<32x50x128xi32, #tpu.memory_space<hbm>> -> memref<1x50x128xi32, #tpu.memory_space<hbm>>
      %dma_start3A_673 = tpu.memref_squeeze %dma_start3A_672 : memref<1x50x128xi32, #tpu.memory_space<hbm>> -> memref<50x128xi32, #tpu.memory_space<hbm>>
      tpu.enqueue_dma source(%dma_start3A_673 : memref<50x128xi32, #tpu.memory_space<hbm>>) target(%arg5 : memref<50x128xi32, #tpu.memory_space<vmem>>) target_semaphore(%run_scoped3A : memref<!tpu.dma_semaphore, #tpu.memory_space<semaphore_mem>>)
      %dma_wait3A_674 = arith.constant 0 : i32
      %dma_wait3A_675 = arith.constant 0 : i32
      %dma_wait3A_676 = tpu.memref_slice %arg2[%add3A, %dma_wait3A_674, %dma_wait3A_675] : memref<32x50x128xi32, #tpu.memory_space<hbm>> -> memref<1x50x128xi32, #tpu.memory_space<hbm>>
      %dma_wait3A_677 = tpu.memref_squeeze %dma_wait3A_676 : memref<1x50x128xi32, #tpu.memory_space<hbm>> -> memref<50x128xi32, #tpu.memory_space<hbm>>
      %dma_wait3A_678 = arith.constant 0 : i32
      %dma_wait3A_679 = arith.constant 0 : i32
      %dma_wait3A_680 = tpu.memref_slice %arg2[%add3A, %dma_wait3A_678, %dma_wait3A_679] : memref<32x50x128xi32, #tpu.memory_space<hbm>> -> memref<1x50x128xi32, #tpu.memory_space<hbm>>
      %dma_wait3A_681 = tpu.memref_squeeze %dma_wait3A_680 : memref<1x50x128xi32, #tpu.memory_space<hbm>> -> memref<50x128xi32, #tpu.memory_space<hbm>>
      tpu.wait_dma2 semaphore(%run_scoped3A : memref<!tpu.dma_semaphore, #tpu.memory_space<semaphore_mem>>) src(%dma_wait3A_681 : memref<50x128xi32, #tpu.memory_space<hbm>>) dst(%arg5 : memref<50x128xi32, #tpu.memory_space<vmem>>)
      tpu.yield
    }) : () -> ()
    %dma_start3A = arith.constant 0 : i32
    %dma_start3A_3 = arith.constant 0 : i32
    %dma_start3A_4 = arith.constant 0 : i32
    %dma_start3A_5 = arith.constant 0 : i32
    %dma_start3A_6 = arith.constant 0 : i32
    %dma_start3A_7 = tpu.memref_slice %arg6[%dma_start3A_3, %dma_start3A_5, %dma_start3A_6] : memref<5x128x128xf32, #tpu.memory_space<vmem>> -> memref<1x128x128xf32, #tpu.memory_space<vmem>>
    %dma_start3A_8 = tpu.memref_squeeze %dma_start3A_7 : memref<1x128x128xf32, #tpu.memory_space<vmem>> -> memref<128x128xf32, #tpu.memory_space<vmem>>
    %dma_start3A_9 = arith.constant 0 : i32
    %dma_start3A_10 = tpu.memref_slice %arg5[%dma_start3A, %dma_start3A_9] : memref<50x128xi32, #tpu.memory_space<vmem>> -> memref<1x128xi32, #tpu.memory_space<vmem>>
    %dma_start3A_11 = tpu.memref_squeeze %dma_start3A_10 : memref<1x128xi32, #tpu.memory_space<vmem>> -> memref<128xi32, #tpu.memory_space<vmem>>
    %dma_start3A_12 = arith.constant 0 : i32
    %dma_start3A_13 = arith.constant 0 : i32
    %dma_start3A_14 = tpu.memref_slice %arg3[%dma_start3A_12, %dma_start3A_13] : memref<100000x128xf32, #tpu.memory_space<hbm>> -> memref<100000x128xf32, #tpu.memory_space<hbm>>
    %dma_start3A_15 = tpu.memref_slice %arg7[%dma_start3A_4] : memref<5x!tpu.dma_semaphore, #tpu.memory_space<semaphore_mem>> -> memref<1x!tpu.dma_semaphore, #tpu.memory_space<semaphore_mem>>
    %dma_start3A_16 = tpu.memref_squeeze %dma_start3A_15 : memref<1x!tpu.dma_semaphore, #tpu.memory_space<semaphore_mem>> -> memref<!tpu.dma_semaphore, #tpu.memory_space<semaphore_mem>>
    tpu.enqueue_indirect_dma source(%dma_start3A_14 : memref<100000x128xf32, #tpu.memory_space<hbm>>) target(%dma_start3A_8 : memref<128x128xf32, #tpu.memory_space<vmem>>) offsets(%dma_start3A_11 : memref<128xi32, #tpu.memory_space<vmem>>) semaphore(%dma_start3A_16 : memref<!tpu.dma_semaphore, #tpu.memory_space<semaphore_mem>>)
    %dma_start3A_17 = arith.constant 1 : i32
    %dma_start3A_18 = arith.constant 1 : i32
    %dma_start3A_19 = arith.constant 1 : i32
    %dma_start3A_20 = arith.constant 0 : i32
    %dma_start3A_21 = arith.constant 0 : i32
    %dma_start3A_22 = tpu.memref_slice %arg6[%dma_start3A_18, %dma_start3A_20, %dma_start3A_21] : memref<5x128x128xf32, #tpu.memory_space<vmem>> -> memref<1x128x128xf32, #tpu.memory_space<vmem>>
    %dma_start3A_23 = tpu.memref_squeeze %dma_start3A_22 : memref<1x128x128xf32, #tpu.memory_space<vmem>> -> memref<128x128xf32, #tpu.memory_space<vmem>>
    %dma_start3A_24 = arith.constant 0 : i32
    %dma_start3A_25 = tpu.memref_slice %arg5[%dma_start3A_17, %dma_start3A_24] : memref<50x128xi32, #tpu.memory_space<vmem>> -> memref<1x128xi32, #tpu.memory_space<vmem>>
    %dma_start3A_26 = tpu.memref_squeeze %dma_start3A_25 : memref<1x128xi32, #tpu.memory_space<vmem>> -> memref<128xi32, #tpu.memory_space<vmem>>
    %dma_start3A_27 = arith.constant 0 : i32
    %dma_start3A_28 = arith.constant 0 : i32
    %dma_start3A_29 = tpu.memref_slice %arg3[%dma_start3A_27, %dma_start3A_28] : memref<100000x128xf32, #tpu.memory_space<hbm>> -> memref<100000x128xf32, #tpu.memory_space<hbm>>
    %dma_start3A_30 = tpu.memref_slice %arg7[%dma_start3A_19] : memref<5x!tpu.dma_semaphore, #tpu.memory_space<semaphore_mem>> -> memref<1x!tpu.dma_semaphore, #tpu.memory_space<semaphore_mem>>
    %dma_start3A_31 = tpu.memref_squeeze %dma_start3A_30 : memref<1x!tpu.dma_semaphore, #tpu.memory_space<semaphore_mem>> -> memref<!tpu.dma_semaphore, #tpu.memory_space<semaphore_mem>>
    tpu.enqueue_indirect_dma source(%dma_start3A_29 : memref<100000x128xf32, #tpu.memory_space<hbm>>) target(%dma_start3A_23 : memref<128x128xf32, #tpu.memory_space<vmem>>) offsets(%dma_start3A_26 : memref<128xi32, #tpu.memory_space<vmem>>) semaphore(%dma_start3A_31 : memref<!tpu.dma_semaphore, #tpu.memory_space<semaphore_mem>>)
    %dma_start3A_32 = arith.constant 2 : i32
    %dma_start3A_33 = arith.constant 2 : i32
    %dma_start3A_34 = arith.constant 2 : i32
    %dma_start3A_35 = arith.constant 0 : i32
    %dma_start3A_36 = arith.constant 0 : i32
    %dma_start3A_37 = tpu.memref_slice %arg6[%dma_start3A_33, %dma_start3A_35, %dma_start3A_36] : memref<5x128x128xf32, #tpu.memory_space<vmem>> -> memref<1x128x128xf32, #tpu.memory_space<vmem>>
    %dma_start3A_38 = tpu.memref_squeeze %dma_start3A_37 : memref<1x128x128xf32, #tpu.memory_space<vmem>> -> memref<128x128xf32, #tpu.memory_space<vmem>>
    %dma_start3A_39 = arith.constant 0 : i32
    %dma_start3A_40 = tpu.memref_slice %arg5[%dma_start3A_32, %dma_start3A_39] : memref<50x128xi32, #tpu.memory_space<vmem>> -> memref<1x128xi32, #tpu.memory_space<vmem>>
    %dma_start3A_41 = tpu.memref_squeeze %dma_start3A_40 : memref<1x128xi32, #tpu.memory_space<vmem>> -> memref<128xi32, #tpu.memory_space<vmem>>
    %dma_start3A_42 = arith.constant 0 : i32
    %dma_start3A_43 = arith.constant 0 : i32
    %dma_start3A_44 = tpu.memref_slice %arg3[%dma_start3A_42, %dma_start3A_43] : memref<100000x128xf32, #tpu.memory_space<hbm>> -> memref<100000x128xf32, #tpu.memory_space<hbm>>
    %dma_start3A_45 = tpu.memref_slice %arg7[%dma_start3A_34] : memref<5x!tpu.dma_semaphore, #tpu.memory_space<semaphore_mem>> -> memref<1x!tpu.dma_semaphore, #tpu.memory_space<semaphore_mem>>
    %dma_start3A_46 = tpu.memref_squeeze %dma_start3A_45 : memref<1x!tpu.dma_semaphore, #tpu.memory_space<semaphore_mem>> -> memref<!tpu.dma_semaphore, #tpu.memory_space<semaphore_mem>>
    tpu.enqueue_indirect_dma source(%dma_start3A_44 : memref<100000x128xf32, #tpu.memory_space<hbm>>) target(%dma_start3A_38 : memref<128x128xf32, #tpu.memory_space<vmem>>) offsets(%dma_start3A_41 : memref<128xi32, #tpu.memory_space<vmem>>) semaphore(%dma_start3A_46 : memref<!tpu.dma_semaphore, #tpu.memory_space<semaphore_mem>>)
    %dma_start3A_47 = arith.constant 3 : i32
    %dma_start3A_48 = arith.constant 3 : i32
    %dma_start3A_49 = arith.constant 3 : i32
    %dma_start3A_50 = arith.constant 0 : i32
    %dma_start3A_51 = arith.constant 0 : i32
    %dma_start3A_52 = tpu.memref_slice %arg6[%dma_start3A_48, %dma_start3A_50, %dma_start3A_51] : memref<5x128x128xf32, #tpu.memory_space<vmem>> -> memref<1x128x128xf32, #tpu.memory_space<vmem>>
    %dma_start3A_53 = tpu.memref_squeeze %dma_start3A_52 : memref<1x128x128xf32, #tpu.memory_space<vmem>> -> memref<128x128xf32, #tpu.memory_space<vmem>>
    %dma_start3A_54 = arith.constant 0 : i32
    %dma_start3A_55 = tpu.memref_slice %arg5[%dma_start3A_47, %dma_start3A_54] : memref<50x128xi32, #tpu.memory_space<vmem>> -> memref<1x128xi32, #tpu.memory_space<vmem>>
    %dma_start3A_56 = tpu.memref_squeeze %dma_start3A_55 : memref<1x128xi32, #tpu.memory_space<vmem>> -> memref<128xi32, #tpu.memory_space<vmem>>
    %dma_start3A_57 = arith.constant 0 : i32
    %dma_start3A_58 = arith.constant 0 : i32
    %dma_start3A_59 = tpu.memref_slice %arg3[%dma_start3A_57, %dma_start3A_58] : memref<100000x128xf32, #tpu.memory_space<hbm>> -> memref<100000x128xf32, #tpu.memory_space<hbm>>
    %dma_start3A_60 = tpu.memref_slice %arg7[%dma_start3A_49] : memref<5x!tpu.dma_semaphore, #tpu.memory_space<semaphore_mem>> -> memref<1x!tpu.dma_semaphore, #tpu.memory_space<semaphore_mem>>
    %dma_start3A_61 = tpu.memref_squeeze %dma_start3A_60 : memref<1x!tpu.dma_semaphore, #tpu.memory_space<semaphore_mem>> -> memref<!tpu.dma_semaphore, #tpu.memory_space<semaphore_mem>>
    tpu.enqueue_indirect_dma source(%dma_start3A_59 : memref<100000x128xf32, #tpu.memory_space<hbm>>) target(%dma_start3A_53 : memref<128x128xf32, #tpu.memory_space<vmem>>) offsets(%dma_start3A_56 : memref<128xi32, #tpu.memory_space<vmem>>) semaphore(%dma_start3A_61 : memref<!tpu.dma_semaphore, #tpu.memory_space<semaphore_mem>>)
    %dma_wait3A = arith.constant 0 : i32
    %dma_wait3A_62 = arith.constant 0 : i32
    %dma_wait3A_63 = arith.constant 0 : i32
    %dma_wait3A_64 = arith.constant 0 : i32
    %dma_wait3A_65 = arith.constant 0 : i32
    %dma_wait3A_66 = tpu.memref_slice %arg6[%dma_wait3A_62, %dma_wait3A_64, %dma_wait3A_65] : memref<5x128x128xf32, #tpu.memory_space<vmem>> -> memref<1x128x128xf32, #tpu.memory_space<vmem>>
    %dma_wait3A_67 = tpu.memref_squeeze %dma_wait3A_66 : memref<1x128x128xf32, #tpu.memory_space<vmem>> -> memref<128x128xf32, #tpu.memory_space<vmem>>
    %dma_wait3A_68 = arith.constant 0 : i32
    %dma_wait3A_69 = tpu.memref_slice %arg5[%dma_wait3A, %dma_wait3A_68] : memref<50x128xi32, #tpu.memory_space<vmem>> -> memref<1x128xi32, #tpu.memory_space<vmem>>
    %dma_wait3A_70 = tpu.memref_squeeze %dma_wait3A_69 : memref<1x128xi32, #tpu.memory_space<vmem>> -> memref<128xi32, #tpu.memory_space<vmem>>
    %dma_wait3A_71 = arith.constant 0 : i32
    %dma_wait3A_72 = arith.constant 0 : i32
    %dma_wait3A_73 = tpu.memref_slice %arg3[%dma_wait3A_71, %dma_wait3A_72] : memref<100000x128xf32, #tpu.memory_space<hbm>> -> memref<100000x128xf32, #tpu.memory_space<hbm>>
    %dma_wait3A_74 = tpu.memref_slice %arg7[%dma_wait3A_63] : memref<5x!tpu.dma_semaphore, #tpu.memory_space<semaphore_mem>> -> memref<1x!tpu.dma_semaphore, #tpu.memory_space<semaphore_mem>>
    %dma_wait3A_75 = tpu.memref_squeeze %dma_wait3A_74 : memref<1x!tpu.dma_semaphore, #tpu.memory_space<semaphore_mem>> -> memref<!tpu.dma_semaphore, #tpu.memory_space<semaphore_mem>>
    tpu.wait_indirect_dma semaphore(%dma_wait3A_75 : memref<!tpu.dma_semaphore, #tpu.memory_space<semaphore_mem>>) src(%dma_wait3A_73 : memref<100000x128xf32, #tpu.memory_space<hbm>>) dst(%dma_wait3A_67 : memref<128x128xf32, #tpu.memory_space<vmem>>)
    %add3A_76 = arith.constant 0 : i32
    %add3A_77 = arith.addi %mul3A_2, %add3A_76 : i32
    %dma_start3A_78 = arith.constant 0 : i32
    %dma_start3A_79 = arith.constant 0 : i32
    %dma_start3A_80 = arith.constant 0 : i32
    %dma_start3A_81 = arith.constant 0 : i32
    %dma_start3A_82 = tpu.memref_slice %arg6[%dma_start3A_78, %dma_start3A_80, %dma_start3A_81] : memref<5x128x128xf32, #tpu.memory_space<vmem>> -> memref<1x128x128xf32, #tpu.memory_space<vmem>>
    %dma_start3A_83 = tpu.memref_squeeze %dma_start3A_82 : memref<1x128x128xf32, #tpu.memory_space<vmem>> -> memref<128x128xf32, #tpu.memory_space<vmem>>
    %dma_start3A_84 = arith.constant 0 : i32
    %dma_start3A_85 = tpu.memref_slice %arg4[%add3A_77, %dma_start3A_84] : memref<204800x128xf32, #tpu.memory_space<hbm>> -> memref<128x128xf32, #tpu.memory_space<hbm>>
    %dma_start3A_86 = tpu.memref_slice %arg8[%dma_start3A_79] : memref<5x!tpu.dma_semaphore, #tpu.memory_space<semaphore_mem>> -> memref<1x!tpu.dma_semaphore, #tpu.memory_space<semaphore_mem>>
    %dma_start3A_87 = tpu.memref_squeeze %dma_start3A_86 : memref<1x!tpu.dma_semaphore, #tpu.memory_space<semaphore_mem>> -> memref<!tpu.dma_semaphore, #tpu.memory_space<semaphore_mem>>
    %dma_start3A_88 = arith.constant 0 : i32
    %dma_start3A_89 = tpu.memref_slice %arg4[%add3A_77, %dma_start3A_88] : memref<204800x128xf32, #tpu.memory_space<hbm>> -> memref<128x128xf32, #tpu.memory_space<hbm>>
    %dma_start3A_90 = arith.constant 0 : i32
    %dma_start3A_91 = arith.constant 0 : i32
    %dma_start3A_92 = tpu.memref_slice %arg6[%dma_start3A_78, %dma_start3A_90, %dma_start3A_91] : memref<5x128x128xf32, #tpu.memory_space<vmem>> -> memref<1x128x128xf32, #tpu.memory_space<vmem>>
    %dma_start3A_93 = tpu.memref_squeeze %dma_start3A_92 : memref<1x128x128xf32, #tpu.memory_space<vmem>> -> memref<128x128xf32, #tpu.memory_space<vmem>>
    tpu.enqueue_dma source(%dma_start3A_93 : memref<128x128xf32, #tpu.memory_space<vmem>>) target(%dma_start3A_89 : memref<128x128xf32, #tpu.memory_space<hbm>>) target_semaphore(%dma_start3A_87 : memref<!tpu.dma_semaphore, #tpu.memory_space<semaphore_mem>>)
    %dma_start3A_94 = arith.constant 4 : i32
    %dma_start3A_95 = arith.constant 4 : i32
    %dma_start3A_96 = arith.constant 4 : i32
    %dma_start3A_97 = arith.constant 0 : i32
    %dma_start3A_98 = arith.constant 0 : i32
    %dma_start3A_99 = tpu.memref_slice %arg6[%dma_start3A_95, %dma_start3A_97, %dma_start3A_98] : memref<5x128x128xf32, #tpu.memory_space<vmem>> -> memref<1x128x128xf32, #tpu.memory_space<vmem>>
    %dma_start3A_100 = tpu.memref_squeeze %dma_start3A_99 : memref<1x128x128xf32, #tpu.memory_space<vmem>> -> memref<128x128xf32, #tpu.memory_space<vmem>>
    %dma_start3A_101 = arith.constant 0 : i32
    %dma_start3A_102 = tpu.memref_slice %arg5[%dma_start3A_94, %dma_start3A_101] : memref<50x128xi32, #tpu.memory_space<vmem>> -> memref<1x128xi32, #tpu.memory_space<vmem>>
    %dma_start3A_103 = tpu.memref_squeeze %dma_start3A_102 : memref<1x128xi32, #tpu.memory_space<vmem>> -> memref<128xi32, #tpu.memory_space<vmem>>
    %dma_start3A_104 = arith.constant 0 : i32
    %dma_start3A_105 = arith.constant 0 : i32
    %dma_start3A_106 = tpu.memref_slice %arg3[%dma_start3A_104, %dma_start3A_105] : memref<100000x128xf32, #tpu.memory_space<hbm>> -> memref<100000x128xf32, #tpu.memory_space<hbm>>
    %dma_start3A_107 = tpu.memref_slice %arg7[%dma_start3A_96] : memref<5x!tpu.dma_semaphore, #tpu.memory_space<semaphore_mem>> -> memref<1x!tpu.dma_semaphore, #tpu.memory_space<semaphore_mem>>
    %dma_start3A_108 = tpu.memref_squeeze %dma_start3A_107 : memref<1x!tpu.dma_semaphore, #tpu.memory_space<semaphore_mem>> -> memref<!tpu.dma_semaphore, #tpu.memory_space<semaphore_mem>>
    tpu.enqueue_indirect_dma source(%dma_start3A_106 : memref<100000x128xf32, #tpu.memory_space<hbm>>) target(%dma_start3A_100 : memref<128x128xf32, #tpu.memory_space<vmem>>) offsets(%dma_start3A_103 : memref<128xi32, #tpu.memory_space<vmem>>) semaphore(%dma_start3A_108 : memref<!tpu.dma_semaphore, #tpu.memory_space<semaphore_mem>>)
    %dma_wait3A_109 = arith.constant 1 : i32
    %dma_wait3A_110 = arith.constant 1 : i32
    %dma_wait3A_111 = arith.constant 1 : i32
    %dma_wait3A_112 = arith.constant 0 : i32
    %dma_wait3A_113 = arith.constant 0 : i32
    %dma_wait3A_114 = tpu.memref_slice %arg6[%dma_wait3A_110, %dma_wait3A_112, %dma_wait3A_113] : memref<5x128x128xf32, #tpu.memory_space<vmem>> -> memref<1x128x128xf32, #tpu.memory_space<vmem>>
    %dma_wait3A_115 = tpu.memref_squeeze %dma_wait3A_114 : memref<1x128x128xf32, #tpu.memory_space<vmem>> -> memref<128x128xf32, #tpu.memory_space<vmem>>
    %dma_wait3A_116 = arith.constant 0 : i32
    %dma_wait3A_117 = tpu.memref_slice %arg5[%dma_wait3A_109, %dma_wait3A_116] : memref<50x128xi32, #tpu.memory_space<vmem>> -> memref<1x128xi32, #tpu.memory_space<vmem>>
    %dma_wait3A_118 = tpu.memref_squeeze %dma_wait3A_117 : memref<1x128xi32, #tpu.memory_space<vmem>> -> memref<128xi32, #tpu.memory_space<vmem>>
    %dma_wait3A_119 = arith.constant 0 : i32
    %dma_wait3A_120 = arith.constant 0 : i32
    %dma_wait3A_121 = tpu.memref_slice %arg3[%dma_wait3A_119, %dma_wait3A_120] : memref<100000x128xf32, #tpu.memory_space<hbm>> -> memref<100000x128xf32, #tpu.memory_space<hbm>>
    %dma_wait3A_122 = tpu.memref_slice %arg7[%dma_wait3A_111] : memref<5x!tpu.dma_semaphore, #tpu.memory_space<semaphore_mem>> -> memref<1x!tpu.dma_semaphore, #tpu.memory_space<semaphore_mem>>
    %dma_wait3A_123 = tpu.memref_squeeze %dma_wait3A_122 : memref<1x!tpu.dma_semaphore, #tpu.memory_space<semaphore_mem>> -> memref<!tpu.dma_semaphore, #tpu.memory_space<semaphore_mem>>
    tpu.wait_indirect_dma semaphore(%dma_wait3A_123 : memref<!tpu.dma_semaphore, #tpu.memory_space<semaphore_mem>>) src(%dma_wait3A_121 : memref<100000x128xf32, #tpu.memory_space<hbm>>) dst(%dma_wait3A_115 : memref<128x128xf32, #tpu.memory_space<vmem>>)
    %add3A_124 = arith.constant 128 : i32
    %add3A_125 = arith.addi %mul3A_2, %add3A_124 : i32
    %dma_start3A_126 = arith.constant 1 : i32
    %dma_start3A_127 = arith.constant 1 : i32
    %dma_start3A_128 = arith.constant 0 : i32
    %dma_start3A_129 = arith.constant 0 : i32
    %dma_start3A_130 = tpu.memref_slice %arg6[%dma_start3A_126, %dma_start3A_128, %dma_start3A_129] : memref<5x128x128xf32, #tpu.memory_space<vmem>> -> memref<1x128x128xf32, #tpu.memory_space<vmem>>
    %dma_start3A_131 = tpu.memref_squeeze %dma_start3A_130 : memref<1x128x128xf32, #tpu.memory_space<vmem>> -> memref<128x128xf32, #tpu.memory_space<vmem>>
    %dma_start3A_132 = arith.constant 0 : i32
    %dma_start3A_133 = tpu.memref_slice %arg4[%add3A_125, %dma_start3A_132] : memref<204800x128xf32, #tpu.memory_space<hbm>> -> memref<128x128xf32, #tpu.memory_space<hbm>>
    %dma_start3A_134 = tpu.memref_slice %arg8[%dma_start3A_127] : memref<5x!tpu.dma_semaphore, #tpu.memory_space<semaphore_mem>> -> memref<1x!tpu.dma_semaphore, #tpu.memory_space<semaphore_mem>>
    %dma_start3A_135 = tpu.memref_squeeze %dma_start3A_134 : memref<1x!tpu.dma_semaphore, #tpu.memory_space<semaphore_mem>> -> memref<!tpu.dma_semaphore, #tpu.memory_space<semaphore_mem>>
    %dma_start3A_136 = arith.constant 0 : i32
    %dma_start3A_137 = tpu.memref_slice %arg4[%add3A_125, %dma_start3A_136] : memref<204800x128xf32, #tpu.memory_space<hbm>> -> memref<128x128xf32, #tpu.memory_space<hbm>>
    %dma_start3A_138 = arith.constant 0 : i32
    %dma_start3A_139 = arith.constant 0 : i32
    %dma_start3A_140 = tpu.memref_slice %arg6[%dma_start3A_126, %dma_start3A_138, %dma_start3A_139] : memref<5x128x128xf32, #tpu.memory_space<vmem>> -> memref<1x128x128xf32, #tpu.memory_space<vmem>>
    %dma_start3A_141 = tpu.memref_squeeze %dma_start3A_140 : memref<1x128x128xf32, #tpu.memory_space<vmem>> -> memref<128x128xf32, #tpu.memory_space<vmem>>
    tpu.enqueue_dma source(%dma_start3A_141 : memref<128x128xf32, #tpu.memory_space<vmem>>) target(%dma_start3A_137 : memref<128x128xf32, #tpu.memory_space<hbm>>) target_semaphore(%dma_start3A_135 : memref<!tpu.dma_semaphore, #tpu.memory_space<semaphore_mem>>)
    %add3A_142 = arith.constant 0 : i32
    %add3A_143 = arith.addi %mul3A_2, %add3A_142 : i32
    %dma_wait3A_144 = arith.constant 0 : i32
    %dma_wait3A_145 = arith.constant 0 : i32
    %dma_wait3A_146 = arith.constant 0 : i32
    %dma_wait3A_147 = arith.constant 0 : i32
    %dma_wait3A_148 = tpu.memref_slice %arg6[%dma_wait3A_144, %dma_wait3A_146, %dma_wait3A_147] : memref<5x128x128xf32, #tpu.memory_space<vmem>> -> memref<1x128x128xf32, #tpu.memory_space<vmem>>
    %dma_wait3A_149 = tpu.memref_squeeze %dma_wait3A_148 : memref<1x128x128xf32, #tpu.memory_space<vmem>> -> memref<128x128xf32, #tpu.memory_space<vmem>>
    %dma_wait3A_150 = arith.constant 0 : i32
    %dma_wait3A_151 = tpu.memref_slice %arg4[%add3A_143, %dma_wait3A_150] : memref<204800x128xf32, #tpu.memory_space<hbm>> -> memref<128x128xf32, #tpu.memory_space<hbm>>
    %dma_wait3A_152 = tpu.memref_slice %arg8[%dma_wait3A_145] : memref<5x!tpu.dma_semaphore, #tpu.memory_space<semaphore_mem>> -> memref<1x!tpu.dma_semaphore, #tpu.memory_space<semaphore_mem>>
    %dma_wait3A_153 = tpu.memref_squeeze %dma_wait3A_152 : memref<1x!tpu.dma_semaphore, #tpu.memory_space<semaphore_mem>> -> memref<!tpu.dma_semaphore, #tpu.memory_space<semaphore_mem>>
    %dma_wait3A_154 = arith.constant 0 : i32
    %dma_wait3A_155 = tpu.memref_slice %arg4[%add3A_143, %dma_wait3A_154] : memref<204800x128xf32, #tpu.memory_space<hbm>> -> memref<128x128xf32, #tpu.memory_space<hbm>>
    %dma_wait3A_156 = arith.constant 0 : i32
    %dma_wait3A_157 = arith.constant 0 : i32
    %dma_wait3A_158 = tpu.memref_slice %arg6[%dma_wait3A_144, %dma_wait3A_156, %dma_wait3A_157] : memref<5x128x128xf32, #tpu.memory_space<vmem>> -> memref<1x128x128xf32, #tpu.memory_space<vmem>>
    %dma_wait3A_159 = tpu.memref_squeeze %dma_wait3A_158 : memref<1x128x128xf32, #tpu.memory_space<vmem>> -> memref<128x128xf32, #tpu.memory_space<vmem>>
    tpu.wait_dma2 semaphore(%dma_wait3A_153 : memref<!tpu.dma_semaphore, #tpu.memory_space<semaphore_mem>>) src(%dma_wait3A_159 : memref<128x128xf32, #tpu.memory_space<vmem>>) dst(%dma_wait3A_155 : memref<128x128xf32, #tpu.memory_space<hbm>>)
    %dma_start3A_160 = arith.constant 5 : i32
    %dma_start3A_161 = arith.constant 0 : i32
    %dma_start3A_162 = arith.constant 0 : i32
    %dma_start3A_163 = arith.constant 0 : i32
    %dma_start3A_164 = arith.constant 0 : i32
    %dma_start3A_165 = tpu.memref_slice %arg6[%dma_start3A_161, %dma_start3A_163, %dma_start3A_164] : memref<5x128x128xf32, #tpu.memory_space<vmem>> -> memref<1x128x128xf32, #tpu.memory_space<vmem>>
    %dma_start3A_166 = tpu.memref_squeeze %dma_start3A_165 : memref<1x128x128xf32, #tpu.memory_space<vmem>> -> memref<128x128xf32, #tpu.memory_space<vmem>>
    %dma_start3A_167 = arith.constant 0 : i32
    %dma_start3A_168 = tpu.memref_slice %arg5[%dma_start3A_160, %dma_start3A_167] : memref<50x128xi32, #tpu.memory_space<vmem>> -> memref<1x128xi32, #tpu.memory_space<vmem>>
    %dma_start3A_169 = tpu.memref_squeeze %dma_start3A_168 : memref<1x128xi32, #tpu.memory_space<vmem>> -> memref<128xi32, #tpu.memory_space<vmem>>
    %dma_start3A_170 = arith.constant 0 : i32
    %dma_start3A_171 = arith.constant 0 : i32
    %dma_start3A_172 = tpu.memref_slice %arg3[%dma_start3A_170, %dma_start3A_171] : memref<100000x128xf32, #tpu.memory_space<hbm>> -> memref<100000x128xf32, #tpu.memory_space<hbm>>
    %dma_start3A_173 = tpu.memref_slice %arg7[%dma_start3A_162] : memref<5x!tpu.dma_semaphore, #tpu.memory_space<semaphore_mem>> -> memref<1x!tpu.dma_semaphore, #tpu.memory_space<semaphore_mem>>
    %dma_start3A_174 = tpu.memref_squeeze %dma_start3A_173 : memref<1x!tpu.dma_semaphore, #tpu.memory_space<semaphore_mem>> -> memref<!tpu.dma_semaphore, #tpu.memory_space<semaphore_mem>>
    tpu.enqueue_indirect_dma source(%dma_start3A_172 : memref<100000x128xf32, #tpu.memory_space<hbm>>) target(%dma_start3A_166 : memref<128x128xf32, #tpu.memory_space<vmem>>) offsets(%dma_start3A_169 : memref<128xi32, #tpu.memory_space<vmem>>) semaphore(%dma_start3A_174 : memref<!tpu.dma_semaphore, #tpu.memory_space<semaphore_mem>>)
    %dma_wait3A_175 = arith.constant 2 : i32
    %dma_wait3A_176 = arith.constant 2 : i32
    %dma_wait3A_177 = arith.constant 2 : i32
    %dma_wait3A_178 = arith.constant 0 : i32
    %dma_wait3A_179 = arith.constant 0 : i32
    %dma_wait3A_180 = tpu.memref_slice %arg6[%dma_wait3A_176, %dma_wait3A_178, %dma_wait3A_179] : memref<5x128x128xf32, #tpu.memory_space<vmem>> -> memref<1x128x128xf32, #tpu.memory_space<vmem>>
    %dma_wait3A_181 = tpu.memref_squeeze %dma_wait3A_180 : memref<1x128x128xf32, #tpu.memory_space<vmem>> -> memref<128x128xf32, #tpu.memory_space<vmem>>
    %dma_wait3A_182 = arith.constant 0 : i32
    %dma_wait3A_183 = tpu.memref_slice %arg5[%dma_wait3A_175, %dma_wait3A_182] : memref<50x128xi32, #tpu.memory_space<vmem>> -> memref<1x128xi32, #tpu.memory_space<vmem>>
    %dma_wait3A_184 = tpu.memref_squeeze %dma_wait3A_183 : memref<1x128xi32, #tpu.memory_space<vmem>> -> memref<128xi32, #tpu.memory_space<vmem>>
    %dma_wait3A_185 = arith.constant 0 : i32
    %dma_wait3A_186 = arith.constant 0 : i32
    %dma_wait3A_187 = tpu.memref_slice %arg3[%dma_wait3A_185, %dma_wait3A_186] : memref<100000x128xf32, #tpu.memory_space<hbm>> -> memref<100000x128xf32, #tpu.memory_space<hbm>>
    %dma_wait3A_188 = tpu.memref_slice %arg7[%dma_wait3A_177] : memref<5x!tpu.dma_semaphore, #tpu.memory_space<semaphore_mem>> -> memref<1x!tpu.dma_semaphore, #tpu.memory_space<semaphore_mem>>
    %dma_wait3A_189 = tpu.memref_squeeze %dma_wait3A_188 : memref<1x!tpu.dma_semaphore, #tpu.memory_space<semaphore_mem>> -> memref<!tpu.dma_semaphore, #tpu.memory_space<semaphore_mem>>
    tpu.wait_indirect_dma semaphore(%dma_wait3A_189 : memref<!tpu.dma_semaphore, #tpu.memory_space<semaphore_mem>>) src(%dma_wait3A_187 : memref<100000x128xf32, #tpu.memory_space<hbm>>) dst(%dma_wait3A_181 : memref<128x128xf32, #tpu.memory_space<vmem>>)
    %add3A_190 = arith.constant 256 : i32
    %add3A_191 = arith.addi %mul3A_2, %add3A_190 : i32
    %dma_start3A_192 = arith.constant 2 : i32
    %dma_start3A_193 = arith.constant 2 : i32
    %dma_start3A_194 = arith.constant 0 : i32
    %dma_start3A_195 = arith.constant 0 : i32
    %dma_start3A_196 = tpu.memref_slice %arg6[%dma_start3A_192, %dma_start3A_194, %dma_start3A_195] : memref<5x128x128xf32, #tpu.memory_space<vmem>> -> memref<1x128x128xf32, #tpu.memory_space<vmem>>
    %dma_start3A_197 = tpu.memref_squeeze %dma_start3A_196 : memref<1x128x128xf32, #tpu.memory_space<vmem>> -> memref<128x128xf32, #tpu.memory_space<vmem>>
    %dma_start3A_198 = arith.constant 0 : i32
    %dma_start3A_199 = tpu.memref_slice %arg4[%add3A_191, %dma_start3A_198] : memref<204800x128xf32, #tpu.memory_space<hbm>> -> memref<128x128xf32, #tpu.memory_space<hbm>>
    %dma_start3A_200 = tpu.memref_slice %arg8[%dma_start3A_193] : memref<5x!tpu.dma_semaphore, #tpu.memory_space<semaphore_mem>> -> memref<1x!tpu.dma_semaphore, #tpu.memory_space<semaphore_mem>>
    %dma_start3A_201 = tpu.memref_squeeze %dma_start3A_200 : memref<1x!tpu.dma_semaphore, #tpu.memory_space<semaphore_mem>> -> memref<!tpu.dma_semaphore, #tpu.memory_space<semaphore_mem>>
    %dma_start3A_202 = arith.constant 0 : i32
    %dma_start3A_203 = tpu.memref_slice %arg4[%add3A_191, %dma_start3A_202] : memref<204800x128xf32, #tpu.memory_space<hbm>> -> memref<128x128xf32, #tpu.memory_space<hbm>>
    %dma_start3A_204 = arith.constant 0 : i32
    %dma_start3A_205 = arith.constant 0 : i32
    %dma_start3A_206 = tpu.memref_slice %arg6[%dma_start3A_192, %dma_start3A_204, %dma_start3A_205] : memref<5x128x128xf32, #tpu.memory_space<vmem>> -> memref<1x128x128xf32, #tpu.memory_space<vmem>>
    %dma_start3A_207 = tpu.memref_squeeze %dma_start3A_206 : memref<1x128x128xf32, #tpu.memory_space<vmem>> -> memref<128x128xf32, #tpu.memory_space<vmem>>
    tpu.enqueue_dma source(%dma_start3A_207 : memref<128x128xf32, #tpu.memory_space<vmem>>) target(%dma_start3A_203 : memref<128x128xf32, #tpu.memory_space<hbm>>) target_semaphore(%dma_start3A_201 : memref<!tpu.dma_semaphore, #tpu.memory_space<semaphore_mem>>)
    %add3A_208 = arith.constant 128 : i32
    %add3A_209 = arith.addi %mul3A_2, %add3A_208 : i32
    %dma_wait3A_210 = arith.constant 1 : i32
    %dma_wait3A_211 = arith.constant 1 : i32
    %dma_wait3A_212 = arith.constant 0 : i32
    %dma_wait3A_213 = arith.constant 0 : i32
    %dma_wait3A_214 = tpu.memref_slice %arg6[%dma_wait3A_210, %dma_wait3A_212, %dma_wait3A_213] : memref<5x128x128xf32, #tpu.memory_space<vmem>> -> memref<1x128x128xf32, #tpu.memory_space<vmem>>
    %dma_wait3A_215 = tpu.memref_squeeze %dma_wait3A_214 : memref<1x128x128xf32, #tpu.memory_space<vmem>> -> memref<128x128xf32, #tpu.memory_space<vmem>>
    %dma_wait3A_216 = arith.constant 0 : i32
    %dma_wait3A_217 = tpu.memref_slice %arg4[%add3A_209, %dma_wait3A_216] : memref<204800x128xf32, #tpu.memory_space<hbm>> -> memref<128x128xf32, #tpu.memory_space<hbm>>
    %dma_wait3A_218 = tpu.memref_slice %arg8[%dma_wait3A_211] : memref<5x!tpu.dma_semaphore, #tpu.memory_space<semaphore_mem>> -> memref<1x!tpu.dma_semaphore, #tpu.memory_space<semaphore_mem>>
    %dma_wait3A_219 = tpu.memref_squeeze %dma_wait3A_218 : memref<1x!tpu.dma_semaphore, #tpu.memory_space<semaphore_mem>> -> memref<!tpu.dma_semaphore, #tpu.memory_space<semaphore_mem>>
    %dma_wait3A_220 = arith.constant 0 : i32
    %dma_wait3A_221 = tpu.memref_slice %arg4[%add3A_209, %dma_wait3A_220] : memref<204800x128xf32, #tpu.memory_space<hbm>> -> memref<128x128xf32, #tpu.memory_space<hbm>>
    %dma_wait3A_222 = arith.constant 0 : i32
    %dma_wait3A_223 = arith.constant 0 : i32
    %dma_wait3A_224 = tpu.memref_slice %arg6[%dma_wait3A_210, %dma_wait3A_222, %dma_wait3A_223] : memref<5x128x128xf32, #tpu.memory_space<vmem>> -> memref<1x128x128xf32, #tpu.memory_space<vmem>>
    %dma_wait3A_225 = tpu.memref_squeeze %dma_wait3A_224 : memref<1x128x128xf32, #tpu.memory_space<vmem>> -> memref<128x128xf32, #tpu.memory_space<vmem>>
    tpu.wait_dma2 semaphore(%dma_wait3A_219 : memref<!tpu.dma_semaphore, #tpu.memory_space<semaphore_mem>>) src(%dma_wait3A_225 : memref<128x128xf32, #tpu.memory_space<vmem>>) dst(%dma_wait3A_221 : memref<128x128xf32, #tpu.memory_space<hbm>>)
    %dma_start3A_226 = arith.constant 6 : i32
    %dma_start3A_227 = arith.constant 1 : i32
    %dma_start3A_228 = arith.constant 1 : i32
    %dma_start3A_229 = arith.constant 0 : i32
    %dma_start3A_230 = arith.constant 0 : i32
    %dma_start3A_231 = tpu.memref_slice %arg6[%dma_start3A_227, %dma_start3A_229, %dma_start3A_230] : memref<5x128x128xf32, #tpu.memory_space<vmem>> -> memref<1x128x128xf32, #tpu.memory_space<vmem>>
    %dma_start3A_232 = tpu.memref_squeeze %dma_start3A_231 : memref<1x128x128xf32, #tpu.memory_space<vmem>> -> memref<128x128xf32, #tpu.memory_space<vmem>>
    %dma_start3A_233 = arith.constant 0 : i32
    %dma_start3A_234 = tpu.memref_slice %arg5[%dma_start3A_226, %dma_start3A_233] : memref<50x128xi32, #tpu.memory_space<vmem>> -> memref<1x128xi32, #tpu.memory_space<vmem>>
    %dma_start3A_235 = tpu.memref_squeeze %dma_start3A_234 : memref<1x128xi32, #tpu.memory_space<vmem>> -> memref<128xi32, #tpu.memory_space<vmem>>
    %dma_start3A_236 = arith.constant 0 : i32
    %dma_start3A_237 = arith.constant 0 : i32
    %dma_start3A_238 = tpu.memref_slice %arg3[%dma_start3A_236, %dma_start3A_237] : memref<100000x128xf32, #tpu.memory_space<hbm>> -> memref<100000x128xf32, #tpu.memory_space<hbm>>
    %dma_start3A_239 = tpu.memref_slice %arg7[%dma_start3A_228] : memref<5x!tpu.dma_semaphore, #tpu.memory_space<semaphore_mem>> -> memref<1x!tpu.dma_semaphore, #tpu.memory_space<semaphore_mem>>
    %dma_start3A_240 = tpu.memref_squeeze %dma_start3A_239 : memref<1x!tpu.dma_semaphore, #tpu.memory_space<semaphore_mem>> -> memref<!tpu.dma_semaphore, #tpu.memory_space<semaphore_mem>>
    tpu.enqueue_indirect_dma source(%dma_start3A_238 : memref<100000x128xf32, #tpu.memory_space<hbm>>) target(%dma_start3A_232 : memref<128x128xf32, #tpu.memory_space<vmem>>) offsets(%dma_start3A_235 : memref<128xi32, #tpu.memory_space<vmem>>) semaphore(%dma_start3A_240 : memref<!tpu.dma_semaphore, #tpu.memory_space<semaphore_mem>>)
    %dma_wait3A_241 = arith.constant 3 : i32
    %dma_wait3A_242 = arith.constant 3 : i32
    %dma_wait3A_243 = arith.constant 3 : i32
    %dma_wait3A_244 = arith.constant 0 : i32
    %dma_wait3A_245 = arith.constant 0 : i32
    %dma_wait3A_246 = tpu.memref_slice %arg6[%dma_wait3A_242, %dma_wait3A_244, %dma_wait3A_245] : memref<5x128x128xf32, #tpu.memory_space<vmem>> -> memref<1x128x128xf32, #tpu.memory_space<vmem>>
    %dma_wait3A_247 = tpu.memref_squeeze %dma_wait3A_246 : memref<1x128x128xf32, #tpu.memory_space<vmem>> -> memref<128x128xf32, #tpu.memory_space<vmem>>
    %dma_wait3A_248 = arith.constant 0 : i32
    %dma_wait3A_249 = tpu.memref_slice %arg5[%dma_wait3A_241, %dma_wait3A_248] : memref<50x128xi32, #tpu.memory_space<vmem>> -> memref<1x128xi32, #tpu.memory_space<vmem>>
    %dma_wait3A_250 = tpu.memref_squeeze %dma_wait3A_249 : memref<1x128xi32, #tpu.memory_space<vmem>> -> memref<128xi32, #tpu.memory_space<vmem>>
    %dma_wait3A_251 = arith.constant 0 : i32
    %dma_wait3A_252 = arith.constant 0 : i32
    %dma_wait3A_253 = tpu.memref_slice %arg3[%dma_wait3A_251, %dma_wait3A_252] : memref<100000x128xf32, #tpu.memory_space<hbm>> -> memref<100000x128xf32, #tpu.memory_space<hbm>>
    %dma_wait3A_254 = tpu.memref_slice %arg7[%dma_wait3A_243] : memref<5x!tpu.dma_semaphore, #tpu.memory_space<semaphore_mem>> -> memref<1x!tpu.dma_semaphore, #tpu.memory_space<semaphore_mem>>
    %dma_wait3A_255 = tpu.memref_squeeze %dma_wait3A_254 : memref<1x!tpu.dma_semaphore, #tpu.memory_space<semaphore_mem>> -> memref<!tpu.dma_semaphore, #tpu.memory_space<semaphore_mem>>
    tpu.wait_indirect_dma semaphore(%dma_wait3A_255 : memref<!tpu.dma_semaphore, #tpu.memory_space<semaphore_mem>>) src(%dma_wait3A_253 : memref<100000x128xf32, #tpu.memory_space<hbm>>) dst(%dma_wait3A_247 : memref<128x128xf32, #tpu.memory_space<vmem>>)
    %add3A_256 = arith.constant 384 : i32
    %add3A_257 = arith.addi %mul3A_2, %add3A_256 : i32
    %dma_start3A_258 = arith.constant 3 : i32
    %dma_start3A_259 = arith.constant 3 : i32
    %dma_start3A_260 = arith.constant 0 : i32
    %dma_start3A_261 = arith.constant 0 : i32
    %dma_start3A_262 = tpu.memref_slice %arg6[%dma_start3A_258, %dma_start3A_260, %dma_start3A_261] : memref<5x128x128xf32, #tpu.memory_space<vmem>> -> memref<1x128x128xf32, #tpu.memory_space<vmem>>
    %dma_start3A_263 = tpu.memref_squeeze %dma_start3A_262 : memref<1x128x128xf32, #tpu.memory_space<vmem>> -> memref<128x128xf32, #tpu.memory_space<vmem>>
    %dma_start3A_264 = arith.constant 0 : i32
    %dma_start3A_265 = tpu.memref_slice %arg4[%add3A_257, %dma_start3A_264] : memref<204800x128xf32, #tpu.memory_space<hbm>> -> memref<128x128xf32, #tpu.memory_space<hbm>>
    %dma_start3A_266 = tpu.memref_slice %arg8[%dma_start3A_259] : memref<5x!tpu.dma_semaphore, #tpu.memory_space<semaphore_mem>> -> memref<1x!tpu.dma_semaphore, #tpu.memory_space<semaphore_mem>>
    %dma_start3A_267 = tpu.memref_squeeze %dma_start3A_266 : memref<1x!tpu.dma_semaphore, #tpu.memory_space<semaphore_mem>> -> memref<!tpu.dma_semaphore, #tpu.memory_space<semaphore_mem>>
    %dma_start3A_268 = arith.constant 0 : i32
    %dma_start3A_269 = tpu.memref_slice %arg4[%add3A_257, %dma_start3A_268] : memref<204800x128xf32, #tpu.memory_space<hbm>> -> memref<128x128xf32, #tpu.memory_space<hbm>>
    %dma_start3A_270 = arith.constant 0 : i32
    %dma_start3A_271 = arith.constant 0 : i32
    %dma_start3A_272 = tpu.memref_slice %arg6[%dma_start3A_258, %dma_start3A_270, %dma_start3A_271] : memref<5x128x128xf32, #tpu.memory_space<vmem>> -> memref<1x128x128xf32, #tpu.memory_space<vmem>>
    %dma_start3A_273 = tpu.memref_squeeze %dma_start3A_272 : memref<1x128x128xf32, #tpu.memory_space<vmem>> -> memref<128x128xf32, #tpu.memory_space<vmem>>
    tpu.enqueue_dma source(%dma_start3A_273 : memref<128x128xf32, #tpu.memory_space<vmem>>) target(%dma_start3A_269 : memref<128x128xf32, #tpu.memory_space<hbm>>) target_semaphore(%dma_start3A_267 : memref<!tpu.dma_semaphore, #tpu.memory_space<semaphore_mem>>)
    %add3A_274 = arith.constant 256 : i32
    %add3A_275 = arith.addi %mul3A_2, %add3A_274 : i32
    %dma_wait3A_276 = arith.constant 2 : i32
    %dma_wait3A_277 = arith.constant 2 : i32
    %dma_wait3A_278 = arith.constant 0 : i32
    %dma_wait3A_279 = arith.constant 0 : i32
    %dma_wait3A_280 = tpu.memref_slice %arg6[%dma_wait3A_276, %dma_wait3A_278, %dma_wait3A_279] : memref<5x128x128xf32, #tpu.memory_space<vmem>> -> memref<1x128x128xf32, #tpu.memory_space<vmem>>
    %dma_wait3A_281 = tpu.memref_squeeze %dma_wait3A_280 : memref<1x128x128xf32, #tpu.memory_space<vmem>> -> memref<128x128xf32, #tpu.memory_space<vmem>>
    %dma_wait3A_282 = arith.constant 0 : i32
    %dma_wait3A_283 = tpu.memref_slice %arg4[%add3A_275, %dma_wait3A_282] : memref<204800x128xf32, #tpu.memory_space<hbm>> -> memref<128x128xf32, #tpu.memory_space<hbm>>
    %dma_wait3A_284 = tpu.memref_slice %arg8[%dma_wait3A_277] : memref<5x!tpu.dma_semaphore, #tpu.memory_space<semaphore_mem>> -> memref<1x!tpu.dma_semaphore, #tpu.memory_space<semaphore_mem>>
    %dma_wait3A_285 = tpu.memref_squeeze %dma_wait3A_284 : memref<1x!tpu.dma_semaphore, #tpu.memory_space<semaphore_mem>> -> memref<!tpu.dma_semaphore, #tpu.memory_space<semaphore_mem>>
    %dma_wait3A_286 = arith.constant 0 : i32
    %dma_wait3A_287 = tpu.memref_slice %arg4[%add3A_275, %dma_wait3A_286] : memref<204800x128xf32, #tpu.memory_space<hbm>> -> memref<128x128xf32, #tpu.memory_space<hbm>>
    %dma_wait3A_288 = arith.constant 0 : i32
    %dma_wait3A_289 = arith.constant 0 : i32
    %dma_wait3A_290 = tpu.memref_slice %arg6[%dma_wait3A_276, %dma_wait3A_288, %dma_wait3A_289] : memref<5x128x128xf32, #tpu.memory_space<vmem>> -> memref<1x128x128xf32, #tpu.memory_space<vmem>>
    %dma_wait3A_291 = tpu.memref_squeeze %dma_wait3A_290 : memref<1x128x128xf32, #tpu.memory_space<vmem>> -> memref<128x128xf32, #tpu.memory_space<vmem>>
    tpu.wait_dma2 semaphore(%dma_wait3A_285 : memref<!tpu.dma_semaphore, #tpu.memory_space<semaphore_mem>>) src(%dma_wait3A_291 : memref<128x128xf32, #tpu.memory_space<vmem>>) dst(%dma_wait3A_287 : memref<128x128xf32, #tpu.memory_space<hbm>>)
    %dma_start3A_292 = arith.constant 7 : i32
    %dma_start3A_293 = arith.constant 2 : i32
    %dma_start3A_294 = arith.constant 2 : i32
    %dma_start3A_295 = arith.constant 0 : i32
    %dma_start3A_296 = arith.constant 0 : i32
    %dma_start3A_297 = tpu.memref_slice %arg6[%dma_start3A_293, %dma_start3A_295, %dma_start3A_296] : memref<5x128x128xf32, #tpu.memory_space<vmem>> -> memref<1x128x128xf32, #tpu.memory_space<vmem>>
    %dma_start3A_298 = tpu.memref_squeeze %dma_start3A_297 : memref<1x128x128xf32, #tpu.memory_space<vmem>> -> memref<128x128xf32, #tpu.memory_space<vmem>>
    %dma_start3A_299 = arith.constant 0 : i32
    %dma_start3A_300 = tpu.memref_slice %arg5[%dma_start3A_292, %dma_start3A_299] : memref<50x128xi32, #tpu.memory_space<vmem>> -> memref<1x128xi32, #tpu.memory_space<vmem>>
    %dma_start3A_301 = tpu.memref_squeeze %dma_start3A_300 : memref<1x128xi32, #tpu.memory_space<vmem>> -> memref<128xi32, #tpu.memory_space<vmem>>
    %dma_start3A_302 = arith.constant 0 : i32
    %dma_start3A_303 = arith.constant 0 : i32
    %dma_start3A_304 = tpu.memref_slice %arg3[%dma_start3A_302, %dma_start3A_303] : memref<100000x128xf32, #tpu.memory_space<hbm>> -> memref<100000x128xf32, #tpu.memory_space<hbm>>
    %dma_start3A_305 = tpu.memref_slice %arg7[%dma_start3A_294] : memref<5x!tpu.dma_semaphore, #tpu.memory_space<semaphore_mem>> -> memref<1x!tpu.dma_semaphore, #tpu.memory_space<semaphore_mem>>
    %dma_start3A_306 = tpu.memref_squeeze %dma_start3A_305 : memref<1x!tpu.dma_semaphore, #tpu.memory_space<semaphore_mem>> -> memref<!tpu.dma_semaphore, #tpu.memory_space<semaphore_mem>>
    tpu.enqueue_indirect_dma source(%dma_start3A_304 : memref<100000x128xf32, #tpu.memory_space<hbm>>) target(%dma_start3A_298 : memref<128x128xf32, #tpu.memory_space<vmem>>) offsets(%dma_start3A_301 : memref<128xi32, #tpu.memory_space<vmem>>) semaphore(%dma_start3A_306 : memref<!tpu.dma_semaphore, #tpu.memory_space<semaphore_mem>>)
    %dma_wait3A_307 = arith.constant 4 : i32
    %dma_wait3A_308 = arith.constant 4 : i32
    %dma_wait3A_309 = arith.constant 4 : i32
    %dma_wait3A_310 = arith.constant 0 : i32
    %dma_wait3A_311 = arith.constant 0 : i32
    %dma_wait3A_312 = tpu.memref_slice %arg6[%dma_wait3A_308, %dma_wait3A_310, %dma_wait3A_311] : memref<5x128x128xf32, #tpu.memory_space<vmem>> -> memref<1x128x128xf32, #tpu.memory_space<vmem>>
    %dma_wait3A_313 = tpu.memref_squeeze %dma_wait3A_312 : memref<1x128x128xf32, #tpu.memory_space<vmem>> -> memref<128x128xf32, #tpu.memory_space<vmem>>
    %dma_wait3A_314 = arith.constant 0 : i32
    %dma_wait3A_315 = tpu.memref_slice %arg5[%dma_wait3A_307, %dma_wait3A_314] : memref<50x128xi32, #tpu.memory_space<vmem>> -> memref<1x128xi32, #tpu.memory_space<vmem>>
    %dma_wait3A_316 = tpu.memref_squeeze %dma_wait3A_315 : memref<1x128xi32, #tpu.memory_space<vmem>> -> memref<128xi32, #tpu.memory_space<vmem>>
    %dma_wait3A_317 = arith.constant 0 : i32
    %dma_wait3A_318 = arith.constant 0 : i32
    %dma_wait3A_319 = tpu.memref_slice %arg3[%dma_wait3A_317, %dma_wait3A_318] : memref<100000x128xf32, #tpu.memory_space<hbm>> -> memref<100000x128xf32, #tpu.memory_space<hbm>>
    %dma_wait3A_320 = tpu.memref_slice %arg7[%dma_wait3A_309] : memref<5x!tpu.dma_semaphore, #tpu.memory_space<semaphore_mem>> -> memref<1x!tpu.dma_semaphore, #tpu.memory_space<semaphore_mem>>
    %dma_wait3A_321 = tpu.memref_squeeze %dma_wait3A_320 : memref<1x!tpu.dma_semaphore, #tpu.memory_space<semaphore_mem>> -> memref<!tpu.dma_semaphore, #tpu.memory_space<semaphore_mem>>
    tpu.wait_indirect_dma semaphore(%dma_wait3A_321 : memref<!tpu.dma_semaphore, #tpu.memory_space<semaphore_mem>>) src(%dma_wait3A_319 : memref<100000x128xf32, #tpu.memory_space<hbm>>) dst(%dma_wait3A_313 : memref<128x128xf32, #tpu.memory_space<vmem>>)
    %add3A_322 = arith.constant 512 : i32
    %add3A_323 = arith.addi %mul3A_2, %add3A_322 : i32
    %dma_start3A_324 = arith.constant 4 : i32
    %dma_start3A_325 = arith.constant 4 : i32
    %dma_start3A_326 = arith.constant 0 : i32
    %dma_start3A_327 = arith.constant 0 : i32
    %dma_start3A_328 = tpu.memref_slice %arg6[%dma_start3A_324, %dma_start3A_326, %dma_start3A_327] : memref<5x128x128xf32, #tpu.memory_space<vmem>> -> memref<1x128x128xf32, #tpu.memory_space<vmem>>
    %dma_start3A_329 = tpu.memref_squeeze %dma_start3A_328 : memref<1x128x128xf32, #tpu.memory_space<vmem>> -> memref<128x128xf32, #tpu.memory_space<vmem>>
    %dma_start3A_330 = arith.constant 0 : i32
    %dma_start3A_331 = tpu.memref_slice %arg4[%add3A_323, %dma_start3A_330] : memref<204800x128xf32, #tpu.memory_space<hbm>> -> memref<128x128xf32, #tpu.memory_space<hbm>>
    %dma_start3A_332 = tpu.memref_slice %arg8[%dma_start3A_325] : memref<5x!tpu.dma_semaphore, #tpu.memory_space<semaphore_mem>> -> memref<1x!tpu.dma_semaphore, #tpu.memory_space<semaphore_mem>>
    %dma_start3A_333 = tpu.memref_squeeze %dma_start3A_332 : memref<1x!tpu.dma_semaphore, #tpu.memory_space<semaphore_mem>> -> memref<!tpu.dma_semaphore, #tpu.memory_space<semaphore_mem>>
    %dma_start3A_334 = arith.constant 0 : i32
    %dma_start3A_335 = tpu.memref_slice %arg4[%add3A_323, %dma_start3A_334] : memref<204800x128xf32, #tpu.memory_space<hbm>> -> memref<128x128xf32, #tpu.memory_space<hbm>>
    %dma_start3A_336 = arith.constant 0 : i32
    %dma_start3A_337 = arith.constant 0 : i32
    %dma_start3A_338 = tpu.memref_slice %arg6[%dma_start3A_324, %dma_start3A_336, %dma_start3A_337] : memref<5x128x128xf32, #tpu.memory_space<vmem>> -> memref<1x128x128xf32, #tpu.memory_space<vmem>>
    %dma_start3A_339 = tpu.memref_squeeze %dma_start3A_338 : memref<1x128x128xf32, #tpu.memory_space<vmem>> -> memref<128x128xf32, #tpu.memory_space<vmem>>
    tpu.enqueue_dma source(%dma_start3A_339 : memref<128x128xf32, #tpu.memory_space<vmem>>) target(%dma_start3A_335 : memref<128x128xf32, #tpu.memory_space<hbm>>) target_semaphore(%dma_start3A_333 : memref<!tpu.dma_semaphore, #tpu.memory_space<semaphore_mem>>)
    %scan3A = arith.constant 0 : i32
    %scan3A_340 = arith.constant 1 : i32
    %scan3A_341 = arith.constant 8 : i32
    %scan3A_342 = arith.addi %scan3A_340, %scan3A_341 : i32
    %scan3A_343 = arith.constant 1 : i32
    scf.for %scan3A_666 = %scan3A_340 to %scan3A_342 step %scan3A_343  : i32 {
      %mul3A_667 = arith.constant 5 : i32
      %mul3A_668 = arith.muli %scan3A_666, %mul3A_667 : i32
      %add3A_669 = arith.constant 0 : i32
      %add3A_670 = arith.addi %mul3A_668, %add3A_669 : i32
      %sub3A = arith.constant 2 : i32
      %sub3A_671 = arith.subi %add3A_670, %sub3A : i32
      %mul3A_672 = arith.constant 128 : i32
      %mul3A_673 = arith.muli %sub3A_671, %mul3A_672 : i32
      %add3A_674 = arith.addi %mul3A_2, %mul3A_673 : i32
      %dma_wait3A_675 = arith.constant 3 : i32
      %dma_wait3A_676 = arith.constant 3 : i32
      %dma_wait3A_677 = arith.constant 0 : i32
      %dma_wait3A_678 = arith.constant 0 : i32
      %dma_wait3A_679 = tpu.memref_slice %arg6[%dma_wait3A_675, %dma_wait3A_677, %dma_wait3A_678] : memref<5x128x128xf32, #tpu.memory_space<vmem>> -> memref<1x128x128xf32, #tpu.memory_space<vmem>>
      %dma_wait3A_680 = tpu.memref_squeeze %dma_wait3A_679 : memref<1x128x128xf32, #tpu.memory_space<vmem>> -> memref<128x128xf32, #tpu.memory_space<vmem>>
      %dma_wait3A_681 = arith.constant 0 : i32
      %dma_wait3A_682 = tpu.memref_slice %arg4[%add3A_674, %dma_wait3A_681] : memref<204800x128xf32, #tpu.memory_space<hbm>> -> memref<128x128xf32, #tpu.memory_space<hbm>>
      %dma_wait3A_683 = tpu.memref_slice %arg8[%dma_wait3A_676] : memref<5x!tpu.dma_semaphore, #tpu.memory_space<semaphore_mem>> -> memref<1x!tpu.dma_semaphore, #tpu.memory_space<semaphore_mem>>
      %dma_wait3A_684 = tpu.memref_squeeze %dma_wait3A_683 : memref<1x!tpu.dma_semaphore, #tpu.memory_space<semaphore_mem>> -> memref<!tpu.dma_semaphore, #tpu.memory_space<semaphore_mem>>
      %dma_wait3A_685 = arith.constant 0 : i32
      %dma_wait3A_686 = tpu.memref_slice %arg4[%add3A_674, %dma_wait3A_685] : memref<204800x128xf32, #tpu.memory_space<hbm>> -> memref<128x128xf32, #tpu.memory_space<hbm>>
      %dma_wait3A_687 = arith.constant 0 : i32
      %dma_wait3A_688 = arith.constant 0 : i32
      %dma_wait3A_689 = tpu.memref_slice %arg6[%dma_wait3A_675, %dma_wait3A_687, %dma_wait3A_688] : memref<5x128x128xf32, #tpu.memory_space<vmem>> -> memref<1x128x128xf32, #tpu.memory_space<vmem>>
      %dma_wait3A_690 = tpu.memref_squeeze %dma_wait3A_689 : memref<1x128x128xf32, #tpu.memory_space<vmem>> -> memref<128x128xf32, #tpu.memory_space<vmem>>
      tpu.wait_dma2 semaphore(%dma_wait3A_684 : memref<!tpu.dma_semaphore, #tpu.memory_space<semaphore_mem>>) src(%dma_wait3A_690 : memref<128x128xf32, #tpu.memory_space<vmem>>) dst(%dma_wait3A_686 : memref<128x128xf32, #tpu.memory_space<hbm>>)
      %add3A_691 = arith.constant 5 : i32
      %add3A_692 = arith.addi %add3A_670, %add3A_691 : i32
      %sub3A_693 = arith.constant 2 : i32
      %sub3A_694 = arith.subi %add3A_692, %sub3A_693 : i32
      %dma_start3A_695 = arith.constant 3 : i32
      %dma_start3A_696 = arith.constant 3 : i32
      %dma_start3A_697 = arith.constant 0 : i32
      %dma_start3A_698 = arith.constant 0 : i32
      %dma_start3A_699 = tpu.memref_slice %arg6[%dma_start3A_695, %dma_start3A_697, %dma_start3A_698] : memref<5x128x128xf32, #tpu.memory_space<vmem>> -> memref<1x128x128xf32, #tpu.memory_space<vmem>>
      %dma_start3A_700 = tpu.memref_squeeze %dma_start3A_699 : memref<1x128x128xf32, #tpu.memory_space<vmem>> -> memref<128x128xf32, #tpu.memory_space<vmem>>
      %dma_start3A_701 = arith.constant 0 : i32
      %dma_start3A_702 = tpu.memref_slice %arg5[%sub3A_694, %dma_start3A_701] : memref<50x128xi32, #tpu.memory_space<vmem>> -> memref<1x128xi32, #tpu.memory_space<vmem>>
      %dma_start3A_703 = tpu.memref_squeeze %dma_start3A_702 : memref<1x128xi32, #tpu.memory_space<vmem>> -> memref<128xi32, #tpu.memory_space<vmem>>
      %dma_start3A_704 = arith.constant 0 : i32
      %dma_start3A_705 = arith.constant 0 : i32
      %dma_start3A_706 = tpu.memref_slice %arg3[%dma_start3A_704, %dma_start3A_705] : memref<100000x128xf32, #tpu.memory_space<hbm>> -> memref<100000x128xf32, #tpu.memory_space<hbm>>
      %dma_start3A_707 = tpu.memref_slice %arg7[%dma_start3A_696] : memref<5x!tpu.dma_semaphore, #tpu.memory_space<semaphore_mem>> -> memref<1x!tpu.dma_semaphore, #tpu.memory_space<semaphore_mem>>
      %dma_start3A_708 = tpu.memref_squeeze %dma_start3A_707 : memref<1x!tpu.dma_semaphore, #tpu.memory_space<semaphore_mem>> -> memref<!tpu.dma_semaphore, #tpu.memory_space<semaphore_mem>>
      tpu.enqueue_indirect_dma source(%dma_start3A_706 : memref<100000x128xf32, #tpu.memory_space<hbm>>) target(%dma_start3A_700 : memref<128x128xf32, #tpu.memory_space<vmem>>) offsets(%dma_start3A_703 : memref<128xi32, #tpu.memory_space<vmem>>) semaphore(%dma_start3A_708 : memref<!tpu.dma_semaphore, #tpu.memory_space<semaphore_mem>>)
      %dma_wait3A_709 = arith.constant 0 : i32
      %dma_wait3A_710 = arith.constant 0 : i32
      %dma_wait3A_711 = arith.constant 0 : i32
      %dma_wait3A_712 = arith.constant 0 : i32
      %dma_wait3A_713 = tpu.memref_slice %arg6[%dma_wait3A_709, %dma_wait3A_711, %dma_wait3A_712] : memref<5x128x128xf32, #tpu.memory_space<vmem>> -> memref<1x128x128xf32, #tpu.memory_space<vmem>>
      %dma_wait3A_714 = tpu.memref_squeeze %dma_wait3A_713 : memref<1x128x128xf32, #tpu.memory_space<vmem>> -> memref<128x128xf32, #tpu.memory_space<vmem>>
      %dma_wait3A_715 = arith.constant 0 : i32
      %dma_wait3A_716 = tpu.memref_slice %arg5[%add3A_670, %dma_wait3A_715] : memref<50x128xi32, #tpu.memory_space<vmem>> -> memref<1x128xi32, #tpu.memory_space<vmem>>
      %dma_wait3A_717 = tpu.memref_squeeze %dma_wait3A_716 : memref<1x128xi32, #tpu.memory_space<vmem>> -> memref<128xi32, #tpu.memory_space<vmem>>
      %dma_wait3A_718 = arith.constant 0 : i32
      %dma_wait3A_719 = arith.constant 0 : i32
      %dma_wait3A_720 = tpu.memref_slice %arg3[%dma_wait3A_718, %dma_wait3A_719] : memref<100000x128xf32, #tpu.memory_space<hbm>> -> memref<100000x128xf32, #tpu.memory_space<hbm>>
      %dma_wait3A_721 = tpu.memref_slice %arg7[%dma_wait3A_710] : memref<5x!tpu.dma_semaphore, #tpu.memory_space<semaphore_mem>> -> memref<1x!tpu.dma_semaphore, #tpu.memory_space<semaphore_mem>>
      %dma_wait3A_722 = tpu.memref_squeeze %dma_wait3A_721 : memref<1x!tpu.dma_semaphore, #tpu.memory_space<semaphore_mem>> -> memref<!tpu.dma_semaphore, #tpu.memory_space<semaphore_mem>>
      tpu.wait_indirect_dma semaphore(%dma_wait3A_722 : memref<!tpu.dma_semaphore, #tpu.memory_space<semaphore_mem>>) src(%dma_wait3A_720 : memref<100000x128xf32, #tpu.memory_space<hbm>>) dst(%dma_wait3A_714 : memref<128x128xf32, #tpu.memory_space<vmem>>)
      %mul3A_723 = arith.constant 128 : i32
      %mul3A_724 = arith.muli %add3A_670, %mul3A_723 : i32
      %add3A_725 = arith.addi %mul3A_2, %mul3A_724 : i32
      %dma_start3A_726 = arith.constant 0 : i32
      %dma_start3A_727 = arith.constant 0 : i32
      %dma_start3A_728 = arith.constant 0 : i32
      %dma_start3A_729 = arith.constant 0 : i32
      %dma_start3A_730 = tpu.memref_slice %arg6[%dma_start3A_726, %dma_start3A_728, %dma_start3A_729] : memref<5x128x128xf32, #tpu.memory_space<vmem>> -> memref<1x128x128xf32, #tpu.memory_space<vmem>>
      %dma_start3A_731 = tpu.memref_squeeze %dma_start3A_730 : memref<1x128x128xf32, #tpu.memory_space<vmem>> -> memref<128x128xf32, #tpu.memory_space<vmem>>
      %dma_start3A_732 = arith.constant 0 : i32
      %dma_start3A_733 = tpu.memref_slice %arg4[%add3A_725, %dma_start3A_732] : memref<204800x128xf32, #tpu.memory_space<hbm>> -> memref<128x128xf32, #tpu.memory_space<hbm>>
      %dma_start3A_734 = tpu.memref_slice %arg8[%dma_start3A_727] : memref<5x!tpu.dma_semaphore, #tpu.memory_space<semaphore_mem>> -> memref<1x!tpu.dma_semaphore, #tpu.memory_space<semaphore_mem>>
      %dma_start3A_735 = tpu.memref_squeeze %dma_start3A_734 : memref<1x!tpu.dma_semaphore, #tpu.memory_space<semaphore_mem>> -> memref<!tpu.dma_semaphore, #tpu.memory_space<semaphore_mem>>
      %dma_start3A_736 = arith.constant 0 : i32
      %dma_start3A_737 = tpu.memref_slice %arg4[%add3A_725, %dma_start3A_736] : memref<204800x128xf32, #tpu.memory_space<hbm>> -> memref<128x128xf32, #tpu.memory_space<hbm>>
      %dma_start3A_738 = arith.constant 0 : i32
      %dma_start3A_739 = arith.constant 0 : i32
      %dma_start3A_740 = tpu.memref_slice %arg6[%dma_start3A_726, %dma_start3A_738, %dma_start3A_739] : memref<5x128x128xf32, #tpu.memory_space<vmem>> -> memref<1x128x128xf32, #tpu.memory_space<vmem>>
      %dma_start3A_741 = tpu.memref_squeeze %dma_start3A_740 : memref<1x128x128xf32, #tpu.memory_space<vmem>> -> memref<128x128xf32, #tpu.memory_space<vmem>>
      tpu.enqueue_dma source(%dma_start3A_741 : memref<128x128xf32, #tpu.memory_space<vmem>>) target(%dma_start3A_737 : memref<128x128xf32, #tpu.memory_space<hbm>>) target_semaphore(%dma_start3A_735 : memref<!tpu.dma_semaphore, #tpu.memory_space<semaphore_mem>>)
      %mul3A_742 = arith.constant 5 : i32
      %mul3A_743 = arith.muli %scan3A_666, %mul3A_742 : i32
      %add3A_744 = arith.constant 1 : i32
      %add3A_745 = arith.addi %mul3A_743, %add3A_744 : i32
      %sub3A_746 = arith.constant 2 : i32
      %sub3A_747 = arith.subi %add3A_745, %sub3A_746 : i32
      %mul3A_748 = arith.constant 128 : i32
      %mul3A_749 = arith.muli %sub3A_747, %mul3A_748 : i32
      %add3A_750 = arith.addi %mul3A_2, %mul3A_749 : i32
      %dma_wait3A_751 = arith.constant 4 : i32
      %dma_wait3A_752 = arith.constant 4 : i32
      %dma_wait3A_753 = arith.constant 0 : i32
      %dma_wait3A_754 = arith.constant 0 : i32
      %dma_wait3A_755 = tpu.memref_slice %arg6[%dma_wait3A_751, %dma_wait3A_753, %dma_wait3A_754] : memref<5x128x128xf32, #tpu.memory_space<vmem>> -> memref<1x128x128xf32, #tpu.memory_space<vmem>>
      %dma_wait3A_756 = tpu.memref_squeeze %dma_wait3A_755 : memref<1x128x128xf32, #tpu.memory_space<vmem>> -> memref<128x128xf32, #tpu.memory_space<vmem>>
      %dma_wait3A_757 = arith.constant 0 : i32
      %dma_wait3A_758 = tpu.memref_slice %arg4[%add3A_750, %dma_wait3A_757] : memref<204800x128xf32, #tpu.memory_space<hbm>> -> memref<128x128xf32, #tpu.memory_space<hbm>>
      %dma_wait3A_759 = tpu.memref_slice %arg8[%dma_wait3A_752] : memref<5x!tpu.dma_semaphore, #tpu.memory_space<semaphore_mem>> -> memref<1x!tpu.dma_semaphore, #tpu.memory_space<semaphore_mem>>
      %dma_wait3A_760 = tpu.memref_squeeze %dma_wait3A_759 : memref<1x!tpu.dma_semaphore, #tpu.memory_space<semaphore_mem>> -> memref<!tpu.dma_semaphore, #tpu.memory_space<semaphore_mem>>
      %dma_wait3A_761 = arith.constant 0 : i32
      %dma_wait3A_762 = tpu.memref_slice %arg4[%add3A_750, %dma_wait3A_761] : memref<204800x128xf32, #tpu.memory_space<hbm>> -> memref<128x128xf32, #tpu.memory_space<hbm>>
      %dma_wait3A_763 = arith.constant 0 : i32
      %dma_wait3A_764 = arith.constant 0 : i32
      %dma_wait3A_765 = tpu.memref_slice %arg6[%dma_wait3A_751, %dma_wait3A_763, %dma_wait3A_764] : memref<5x128x128xf32, #tpu.memory_space<vmem>> -> memref<1x128x128xf32, #tpu.memory_space<vmem>>
      %dma_wait3A_766 = tpu.memref_squeeze %dma_wait3A_765 : memref<1x128x128xf32, #tpu.memory_space<vmem>> -> memref<128x128xf32, #tpu.memory_space<vmem>>
      tpu.wait_dma2 semaphore(%dma_wait3A_760 : memref<!tpu.dma_semaphore, #tpu.memory_space<semaphore_mem>>) src(%dma_wait3A_766 : memref<128x128xf32, #tpu.memory_space<vmem>>) dst(%dma_wait3A_762 : memref<128x128xf32, #tpu.memory_space<hbm>>)
      %add3A_767 = arith.constant 5 : i32
      %add3A_768 = arith.addi %add3A_745, %add3A_767 : i32
      %sub3A_769 = arith.constant 2 : i32
      %sub3A_770 = arith.subi %add3A_768, %sub3A_769 : i32
      %dma_start3A_771 = arith.constant 4 : i32
      %dma_start3A_772 = arith.constant 4 : i32
      %dma_start3A_773 = arith.constant 0 : i32
      %dma_start3A_774 = arith.constant 0 : i32
      %dma_start3A_775 = tpu.memref_slice %arg6[%dma_start3A_771, %dma_start3A_773, %dma_start3A_774] : memref<5x128x128xf32, #tpu.memory_space<vmem>> -> memref<1x128x128xf32, #tpu.memory_space<vmem>>
      %dma_start3A_776 = tpu.memref_squeeze %dma_start3A_775 : memref<1x128x128xf32, #tpu.memory_space<vmem>> -> memref<128x128xf32, #tpu.memory_space<vmem>>
      %dma_start3A_777 = arith.constant 0 : i32
      %dma_start3A_778 = tpu.memref_slice %arg5[%sub3A_770, %dma_start3A_777] : memref<50x128xi32, #tpu.memory_space<vmem>> -> memref<1x128xi32, #tpu.memory_space<vmem>>
      %dma_start3A_779 = tpu.memref_squeeze %dma_start3A_778 : memref<1x128xi32, #tpu.memory_space<vmem>> -> memref<128xi32, #tpu.memory_space<vmem>>
      %dma_start3A_780 = arith.constant 0 : i32
      %dma_start3A_781 = arith.constant 0 : i32
      %dma_start3A_782 = tpu.memref_slice %arg3[%dma_start3A_780, %dma_start3A_781] : memref<100000x128xf32, #tpu.memory_space<hbm>> -> memref<100000x128xf32, #tpu.memory_space<hbm>>
      %dma_start3A_783 = tpu.memref_slice %arg7[%dma_start3A_772] : memref<5x!tpu.dma_semaphore, #tpu.memory_space<semaphore_mem>> -> memref<1x!tpu.dma_semaphore, #tpu.memory_space<semaphore_mem>>
      %dma_start3A_784 = tpu.memref_squeeze %dma_start3A_783 : memref<1x!tpu.dma_semaphore, #tpu.memory_space<semaphore_mem>> -> memref<!tpu.dma_semaphore, #tpu.memory_space<semaphore_mem>>
      tpu.enqueue_indirect_dma source(%dma_start3A_782 : memref<100000x128xf32, #tpu.memory_space<hbm>>) target(%dma_start3A_776 : memref<128x128xf32, #tpu.memory_space<vmem>>) offsets(%dma_start3A_779 : memref<128xi32, #tpu.memory_space<vmem>>) semaphore(%dma_start3A_784 : memref<!tpu.dma_semaphore, #tpu.memory_space<semaphore_mem>>)
      %dma_wait3A_785 = arith.constant 1 : i32
      %dma_wait3A_786 = arith.constant 1 : i32
      %dma_wait3A_787 = arith.constant 0 : i32
      %dma_wait3A_788 = arith.constant 0 : i32
      %dma_wait3A_789 = tpu.memref_slice %arg6[%dma_wait3A_785, %dma_wait3A_787, %dma_wait3A_788] : memref<5x128x128xf32, #tpu.memory_space<vmem>> -> memref<1x128x128xf32, #tpu.memory_space<vmem>>
      %dma_wait3A_790 = tpu.memref_squeeze %dma_wait3A_789 : memref<1x128x128xf32, #tpu.memory_space<vmem>> -> memref<128x128xf32, #tpu.memory_space<vmem>>
      %dma_wait3A_791 = arith.constant 0 : i32
      %dma_wait3A_792 = tpu.memref_slice %arg5[%add3A_745, %dma_wait3A_791] : memref<50x128xi32, #tpu.memory_space<vmem>> -> memref<1x128xi32, #tpu.memory_space<vmem>>
      %dma_wait3A_793 = tpu.memref_squeeze %dma_wait3A_792 : memref<1x128xi32, #tpu.memory_space<vmem>> -> memref<128xi32, #tpu.memory_space<vmem>>
      %dma_wait3A_794 = arith.constant 0 : i32
      %dma_wait3A_795 = arith.constant 0 : i32
      %dma_wait3A_796 = tpu.memref_slice %arg3[%dma_wait3A_794, %dma_wait3A_795] : memref<100000x128xf32, #tpu.memory_space<hbm>> -> memref<100000x128xf32, #tpu.memory_space<hbm>>
      %dma_wait3A_797 = tpu.memref_slice %arg7[%dma_wait3A_786] : memref<5x!tpu.dma_semaphore, #tpu.memory_space<semaphore_mem>> -> memref<1x!tpu.dma_semaphore, #tpu.memory_space<semaphore_mem>>
      %dma_wait3A_798 = tpu.memref_squeeze %dma_wait3A_797 : memref<1x!tpu.dma_semaphore, #tpu.memory_space<semaphore_mem>> -> memref<!tpu.dma_semaphore, #tpu.memory_space<semaphore_mem>>
      tpu.wait_indirect_dma semaphore(%dma_wait3A_798 : memref<!tpu.dma_semaphore, #tpu.memory_space<semaphore_mem>>) src(%dma_wait3A_796 : memref<100000x128xf32, #tpu.memory_space<hbm>>) dst(%dma_wait3A_790 : memref<128x128xf32, #tpu.memory_space<vmem>>)
      %mul3A_799 = arith.constant 128 : i32
      %mul3A_800 = arith.muli %add3A_745, %mul3A_799 : i32
      %add3A_801 = arith.addi %mul3A_2, %mul3A_800 : i32
      %dma_start3A_802 = arith.constant 1 : i32
      %dma_start3A_803 = arith.constant 1 : i32
      %dma_start3A_804 = arith.constant 0 : i32
      %dma_start3A_805 = arith.constant 0 : i32
      %dma_start3A_806 = tpu.memref_slice %arg6[%dma_start3A_802, %dma_start3A_804, %dma_start3A_805] : memref<5x128x128xf32, #tpu.memory_space<vmem>> -> memref<1x128x128xf32, #tpu.memory_space<vmem>>
      %dma_start3A_807 = tpu.memref_squeeze %dma_start3A_806 : memref<1x128x128xf32, #tpu.memory_space<vmem>> -> memref<128x128xf32, #tpu.memory_space<vmem>>
      %dma_start3A_808 = arith.constant 0 : i32
      %dma_start3A_809 = tpu.memref_slice %arg4[%add3A_801, %dma_start3A_808] : memref<204800x128xf32, #tpu.memory_space<hbm>> -> memref<128x128xf32, #tpu.memory_space<hbm>>
      %dma_start3A_810 = tpu.memref_slice %arg8[%dma_start3A_803] : memref<5x!tpu.dma_semaphore, #tpu.memory_space<semaphore_mem>> -> memref<1x!tpu.dma_semaphore, #tpu.memory_space<semaphore_mem>>
      %dma_start3A_811 = tpu.memref_squeeze %dma_start3A_810 : memref<1x!tpu.dma_semaphore, #tpu.memory_space<semaphore_mem>> -> memref<!tpu.dma_semaphore, #tpu.memory_space<semaphore_mem>>
      %dma_start3A_812 = arith.constant 0 : i32
      %dma_start3A_813 = tpu.memref_slice %arg4[%add3A_801, %dma_start3A_812] : memref<204800x128xf32, #tpu.memory_space<hbm>> -> memref<128x128xf32, #tpu.memory_space<hbm>>
      %dma_start3A_814 = arith.constant 0 : i32
      %dma_start3A_815 = arith.constant 0 : i32
      %dma_start3A_816 = tpu.memref_slice %arg6[%dma_start3A_802, %dma_start3A_814, %dma_start3A_815] : memref<5x128x128xf32, #tpu.memory_space<vmem>> -> memref<1x128x128xf32, #tpu.memory_space<vmem>>
      %dma_start3A_817 = tpu.memref_squeeze %dma_start3A_816 : memref<1x128x128xf32, #tpu.memory_space<vmem>> -> memref<128x128xf32, #tpu.memory_space<vmem>>
      tpu.enqueue_dma source(%dma_start3A_817 : memref<128x128xf32, #tpu.memory_space<vmem>>) target(%dma_start3A_813 : memref<128x128xf32, #tpu.memory_space<hbm>>) target_semaphore(%dma_start3A_811 : memref<!tpu.dma_semaphore, #tpu.memory_space<semaphore_mem>>)
      %mul3A_818 = arith.constant 5 : i32
      %mul3A_819 = arith.muli %scan3A_666, %mul3A_818 : i32
      %add3A_820 = arith.constant 2 : i32
      %add3A_821 = arith.addi %mul3A_819, %add3A_820 : i32
      %sub3A_822 = arith.constant 2 : i32
      %sub3A_823 = arith.subi %add3A_821, %sub3A_822 : i32
      %mul3A_824 = arith.constant 128 : i32
      %mul3A_825 = arith.muli %sub3A_823, %mul3A_824 : i32
      %add3A_826 = arith.addi %mul3A_2, %mul3A_825 : i32
      %dma_wait3A_827 = arith.constant 0 : i32
      %dma_wait3A_828 = arith.constant 0 : i32
      %dma_wait3A_829 = arith.constant 0 : i32
      %dma_wait3A_830 = arith.constant 0 : i32
      %dma_wait3A_831 = tpu.memref_slice %arg6[%dma_wait3A_827, %dma_wait3A_829, %dma_wait3A_830] : memref<5x128x128xf32, #tpu.memory_space<vmem>> -> memref<1x128x128xf32, #tpu.memory_space<vmem>>
      %dma_wait3A_832 = tpu.memref_squeeze %dma_wait3A_831 : memref<1x128x128xf32, #tpu.memory_space<vmem>> -> memref<128x128xf32, #tpu.memory_space<vmem>>
      %dma_wait3A_833 = arith.constant 0 : i32
      %dma_wait3A_834 = tpu.memref_slice %arg4[%add3A_826, %dma_wait3A_833] : memref<204800x128xf32, #tpu.memory_space<hbm>> -> memref<128x128xf32, #tpu.memory_space<hbm>>
      %dma_wait3A_835 = tpu.memref_slice %arg8[%dma_wait3A_828] : memref<5x!tpu.dma_semaphore, #tpu.memory_space<semaphore_mem>> -> memref<1x!tpu.dma_semaphore, #tpu.memory_space<semaphore_mem>>
      %dma_wait3A_836 = tpu.memref_squeeze %dma_wait3A_835 : memref<1x!tpu.dma_semaphore, #tpu.memory_space<semaphore_mem>> -> memref<!tpu.dma_semaphore, #tpu.memory_space<semaphore_mem>>
      %dma_wait3A_837 = arith.constant 0 : i32
      %dma_wait3A_838 = tpu.memref_slice %arg4[%add3A_826, %dma_wait3A_837] : memref<204800x128xf32, #tpu.memory_space<hbm>> -> memref<128x128xf32, #tpu.memory_space<hbm>>
      %dma_wait3A_839 = arith.constant 0 : i32
      %dma_wait3A_840 = arith.constant 0 : i32
      %dma_wait3A_841 = tpu.memref_slice %arg6[%dma_wait3A_827, %dma_wait3A_839, %dma_wait3A_840] : memref<5x128x128xf32, #tpu.memory_space<vmem>> -> memref<1x128x128xf32, #tpu.memory_space<vmem>>
      %dma_wait3A_842 = tpu.memref_squeeze %dma_wait3A_841 : memref<1x128x128xf32, #tpu.memory_space<vmem>> -> memref<128x128xf32, #tpu.memory_space<vmem>>
      tpu.wait_dma2 semaphore(%dma_wait3A_836 : memref<!tpu.dma_semaphore, #tpu.memory_space<semaphore_mem>>) src(%dma_wait3A_842 : memref<128x128xf32, #tpu.memory_space<vmem>>) dst(%dma_wait3A_838 : memref<128x128xf32, #tpu.memory_space<hbm>>)
      %add3A_843 = arith.constant 5 : i32
      %add3A_844 = arith.addi %add3A_821, %add3A_843 : i32
      %sub3A_845 = arith.constant 2 : i32
      %sub3A_846 = arith.subi %add3A_844, %sub3A_845 : i32
      %dma_start3A_847 = arith.constant 0 : i32
      %dma_start3A_848 = arith.constant 0 : i32
      %dma_start3A_849 = arith.constant 0 : i32
      %dma_start3A_850 = arith.constant 0 : i32
      %dma_start3A_851 = tpu.memref_slice %arg6[%dma_start3A_847, %dma_start3A_849, %dma_start3A_850] : memref<5x128x128xf32, #tpu.memory_space<vmem>> -> memref<1x128x128xf32, #tpu.memory_space<vmem>>
      %dma_start3A_852 = tpu.memref_squeeze %dma_start3A_851 : memref<1x128x128xf32, #tpu.memory_space<vmem>> -> memref<128x128xf32, #tpu.memory_space<vmem>>
      %dma_start3A_853 = arith.constant 0 : i32
      %dma_start3A_854 = tpu.memref_slice %arg5[%sub3A_846, %dma_start3A_853] : memref<50x128xi32, #tpu.memory_space<vmem>> -> memref<1x128xi32, #tpu.memory_space<vmem>>
      %dma_start3A_855 = tpu.memref_squeeze %dma_start3A_854 : memref<1x128xi32, #tpu.memory_space<vmem>> -> memref<128xi32, #tpu.memory_space<vmem>>
      %dma_start3A_856 = arith.constant 0 : i32
      %dma_start3A_857 = arith.constant 0 : i32
      %dma_start3A_858 = tpu.memref_slice %arg3[%dma_start3A_856, %dma_start3A_857] : memref<100000x128xf32, #tpu.memory_space<hbm>> -> memref<100000x128xf32, #tpu.memory_space<hbm>>
      %dma_start3A_859 = tpu.memref_slice %arg7[%dma_start3A_848] : memref<5x!tpu.dma_semaphore, #tpu.memory_space<semaphore_mem>> -> memref<1x!tpu.dma_semaphore, #tpu.memory_space<semaphore_mem>>
      %dma_start3A_860 = tpu.memref_squeeze %dma_start3A_859 : memref<1x!tpu.dma_semaphore, #tpu.memory_space<semaphore_mem>> -> memref<!tpu.dma_semaphore, #tpu.memory_space<semaphore_mem>>
      tpu.enqueue_indirect_dma source(%dma_start3A_858 : memref<100000x128xf32, #tpu.memory_space<hbm>>) target(%dma_start3A_852 : memref<128x128xf32, #tpu.memory_space<vmem>>) offsets(%dma_start3A_855 : memref<128xi32, #tpu.memory_space<vmem>>) semaphore(%dma_start3A_860 : memref<!tpu.dma_semaphore, #tpu.memory_space<semaphore_mem>>)
      %dma_wait3A_861 = arith.constant 2 : i32
      %dma_wait3A_862 = arith.constant 2 : i32
      %dma_wait3A_863 = arith.constant 0 : i32
      %dma_wait3A_864 = arith.constant 0 : i32
      %dma_wait3A_865 = tpu.memref_slice %arg6[%dma_wait3A_861, %dma_wait3A_863, %dma_wait3A_864] : memref<5x128x128xf32, #tpu.memory_space<vmem>> -> memref<1x128x128xf32, #tpu.memory_space<vmem>>
      %dma_wait3A_866 = tpu.memref_squeeze %dma_wait3A_865 : memref<1x128x128xf32, #tpu.memory_space<vmem>> -> memref<128x128xf32, #tpu.memory_space<vmem>>
      %dma_wait3A_867 = arith.constant 0 : i32
      %dma_wait3A_868 = tpu.memref_slice %arg5[%add3A_821, %dma_wait3A_867] : memref<50x128xi32, #tpu.memory_space<vmem>> -> memref<1x128xi32, #tpu.memory_space<vmem>>
      %dma_wait3A_869 = tpu.memref_squeeze %dma_wait3A_868 : memref<1x128xi32, #tpu.memory_space<vmem>> -> memref<128xi32, #tpu.memory_space<vmem>>
      %dma_wait3A_870 = arith.constant 0 : i32
      %dma_wait3A_871 = arith.constant 0 : i32
      %dma_wait3A_872 = tpu.memref_slice %arg3[%dma_wait3A_870, %dma_wait3A_871] : memref<100000x128xf32, #tpu.memory_space<hbm>> -> memref<100000x128xf32, #tpu.memory_space<hbm>>
      %dma_wait3A_873 = tpu.memref_slice %arg7[%dma_wait3A_862] : memref<5x!tpu.dma_semaphore, #tpu.memory_space<semaphore_mem>> -> memref<1x!tpu.dma_semaphore, #tpu.memory_space<semaphore_mem>>
      %dma_wait3A_874 = tpu.memref_squeeze %dma_wait3A_873 : memref<1x!tpu.dma_semaphore, #tpu.memory_space<semaphore_mem>> -> memref<!tpu.dma_semaphore, #tpu.memory_space<semaphore_mem>>
      tpu.wait_indirect_dma semaphore(%dma_wait3A_874 : memref<!tpu.dma_semaphore, #tpu.memory_space<semaphore_mem>>) src(%dma_wait3A_872 : memref<100000x128xf32, #tpu.memory_space<hbm>>) dst(%dma_wait3A_866 : memref<128x128xf32, #tpu.memory_space<vmem>>)
      %mul3A_875 = arith.constant 128 : i32
      %mul3A_876 = arith.muli %add3A_821, %mul3A_875 : i32
      %add3A_877 = arith.addi %mul3A_2, %mul3A_876 : i32
      %dma_start3A_878 = arith.constant 2 : i32
      %dma_start3A_879 = arith.constant 2 : i32
      %dma_start3A_880 = arith.constant 0 : i32
      %dma_start3A_881 = arith.constant 0 : i32
      %dma_start3A_882 = tpu.memref_slice %arg6[%dma_start3A_878, %dma_start3A_880, %dma_start3A_881] : memref<5x128x128xf32, #tpu.memory_space<vmem>> -> memref<1x128x128xf32, #tpu.memory_space<vmem>>
      %dma_start3A_883 = tpu.memref_squeeze %dma_start3A_882 : memref<1x128x128xf32, #tpu.memory_space<vmem>> -> memref<128x128xf32, #tpu.memory_space<vmem>>
      %dma_start3A_884 = arith.constant 0 : i32
      %dma_start3A_885 = tpu.memref_slice %arg4[%add3A_877, %dma_start3A_884] : memref<204800x128xf32, #tpu.memory_space<hbm>> -> memref<128x128xf32, #tpu.memory_space<hbm>>
      %dma_start3A_886 = tpu.memref_slice %arg8[%dma_start3A_879] : memref<5x!tpu.dma_semaphore, #tpu.memory_space<semaphore_mem>> -> memref<1x!tpu.dma_semaphore, #tpu.memory_space<semaphore_mem>>
      %dma_start3A_887 = tpu.memref_squeeze %dma_start3A_886 : memref<1x!tpu.dma_semaphore, #tpu.memory_space<semaphore_mem>> -> memref<!tpu.dma_semaphore, #tpu.memory_space<semaphore_mem>>
      %dma_start3A_888 = arith.constant 0 : i32
      %dma_start3A_889 = tpu.memref_slice %arg4[%add3A_877, %dma_start3A_888] : memref<204800x128xf32, #tpu.memory_space<hbm>> -> memref<128x128xf32, #tpu.memory_space<hbm>>
      %dma_start3A_890 = arith.constant 0 : i32
      %dma_start3A_891 = arith.constant 0 : i32
      %dma_start3A_892 = tpu.memref_slice %arg6[%dma_start3A_878, %dma_start3A_890, %dma_start3A_891] : memref<5x128x128xf32, #tpu.memory_space<vmem>> -> memref<1x128x128xf32, #tpu.memory_space<vmem>>
      %dma_start3A_893 = tpu.memref_squeeze %dma_start3A_892 : memref<1x128x128xf32, #tpu.memory_space<vmem>> -> memref<128x128xf32, #tpu.memory_space<vmem>>
      tpu.enqueue_dma source(%dma_start3A_893 : memref<128x128xf32, #tpu.memory_space<vmem>>) target(%dma_start3A_889 : memref<128x128xf32, #tpu.memory_space<hbm>>) target_semaphore(%dma_start3A_887 : memref<!tpu.dma_semaphore, #tpu.memory_space<semaphore_mem>>)
      %mul3A_894 = arith.constant 5 : i32
      %mul3A_895 = arith.muli %scan3A_666, %mul3A_894 : i32
      %add3A_896 = arith.constant 3 : i32
      %add3A_897 = arith.addi %mul3A_895, %add3A_896 : i32
      %sub3A_898 = arith.constant 2 : i32
      %sub3A_899 = arith.subi %add3A_897, %sub3A_898 : i32
      %mul3A_900 = arith.constant 128 : i32
      %mul3A_901 = arith.muli %sub3A_899, %mul3A_900 : i32
      %add3A_902 = arith.addi %mul3A_2, %mul3A_901 : i32
      %dma_wait3A_903 = arith.constant 1 : i32
      %dma_wait3A_904 = arith.constant 1 : i32
      %dma_wait3A_905 = arith.constant 0 : i32
      %dma_wait3A_906 = arith.constant 0 : i32
      %dma_wait3A_907 = tpu.memref_slice %arg6[%dma_wait3A_903, %dma_wait3A_905, %dma_wait3A_906] : memref<5x128x128xf32, #tpu.memory_space<vmem>> -> memref<1x128x128xf32, #tpu.memory_space<vmem>>
      %dma_wait3A_908 = tpu.memref_squeeze %dma_wait3A_907 : memref<1x128x128xf32, #tpu.memory_space<vmem>> -> memref<128x128xf32, #tpu.memory_space<vmem>>
      %dma_wait3A_909 = arith.constant 0 : i32
      %dma_wait3A_910 = tpu.memref_slice %arg4[%add3A_902, %dma_wait3A_909] : memref<204800x128xf32, #tpu.memory_space<hbm>> -> memref<128x128xf32, #tpu.memory_space<hbm>>
      %dma_wait3A_911 = tpu.memref_slice %arg8[%dma_wait3A_904] : memref<5x!tpu.dma_semaphore, #tpu.memory_space<semaphore_mem>> -> memref<1x!tpu.dma_semaphore, #tpu.memory_space<semaphore_mem>>
      %dma_wait3A_912 = tpu.memref_squeeze %dma_wait3A_911 : memref<1x!tpu.dma_semaphore, #tpu.memory_space<semaphore_mem>> -> memref<!tpu.dma_semaphore, #tpu.memory_space<semaphore_mem>>
      %dma_wait3A_913 = arith.constant 0 : i32
      %dma_wait3A_914 = tpu.memref_slice %arg4[%add3A_902, %dma_wait3A_913] : memref<204800x128xf32, #tpu.memory_space<hbm>> -> memref<128x128xf32, #tpu.memory_space<hbm>>
      %dma_wait3A_915 = arith.constant 0 : i32
      %dma_wait3A_916 = arith.constant 0 : i32
      %dma_wait3A_917 = tpu.memref_slice %arg6[%dma_wait3A_903, %dma_wait3A_915, %dma_wait3A_916] : memref<5x128x128xf32, #tpu.memory_space<vmem>> -> memref<1x128x128xf32, #tpu.memory_space<vmem>>
      %dma_wait3A_918 = tpu.memref_squeeze %dma_wait3A_917 : memref<1x128x128xf32, #tpu.memory_space<vmem>> -> memref<128x128xf32, #tpu.memory_space<vmem>>
      tpu.wait_dma2 semaphore(%dma_wait3A_912 : memref<!tpu.dma_semaphore, #tpu.memory_space<semaphore_mem>>) src(%dma_wait3A_918 : memref<128x128xf32, #tpu.memory_space<vmem>>) dst(%dma_wait3A_914 : memref<128x128xf32, #tpu.memory_space<hbm>>)
      %add3A_919 = arith.constant 5 : i32
      %add3A_920 = arith.addi %add3A_897, %add3A_919 : i32
      %sub3A_921 = arith.constant 2 : i32
      %sub3A_922 = arith.subi %add3A_920, %sub3A_921 : i32
      %dma_start3A_923 = arith.constant 1 : i32
      %dma_start3A_924 = arith.constant 1 : i32
      %dma_start3A_925 = arith.constant 0 : i32
      %dma_start3A_926 = arith.constant 0 : i32
      %dma_start3A_927 = tpu.memref_slice %arg6[%dma_start3A_923, %dma_start3A_925, %dma_start3A_926] : memref<5x128x128xf32, #tpu.memory_space<vmem>> -> memref<1x128x128xf32, #tpu.memory_space<vmem>>
      %dma_start3A_928 = tpu.memref_squeeze %dma_start3A_927 : memref<1x128x128xf32, #tpu.memory_space<vmem>> -> memref<128x128xf32, #tpu.memory_space<vmem>>
      %dma_start3A_929 = arith.constant 0 : i32
      %dma_start3A_930 = tpu.memref_slice %arg5[%sub3A_922, %dma_start3A_929] : memref<50x128xi32, #tpu.memory_space<vmem>> -> memref<1x128xi32, #tpu.memory_space<vmem>>
      %dma_start3A_931 = tpu.memref_squeeze %dma_start3A_930 : memref<1x128xi32, #tpu.memory_space<vmem>> -> memref<128xi32, #tpu.memory_space<vmem>>
      %dma_start3A_932 = arith.constant 0 : i32
      %dma_start3A_933 = arith.constant 0 : i32
      %dma_start3A_934 = tpu.memref_slice %arg3[%dma_start3A_932, %dma_start3A_933] : memref<100000x128xf32, #tpu.memory_space<hbm>> -> memref<100000x128xf32, #tpu.memory_space<hbm>>
      %dma_start3A_935 = tpu.memref_slice %arg7[%dma_start3A_924] : memref<5x!tpu.dma_semaphore, #tpu.memory_space<semaphore_mem>> -> memref<1x!tpu.dma_semaphore, #tpu.memory_space<semaphore_mem>>
      %dma_start3A_936 = tpu.memref_squeeze %dma_start3A_935 : memref<1x!tpu.dma_semaphore, #tpu.memory_space<semaphore_mem>> -> memref<!tpu.dma_semaphore, #tpu.memory_space<semaphore_mem>>
      tpu.enqueue_indirect_dma source(%dma_start3A_934 : memref<100000x128xf32, #tpu.memory_space<hbm>>) target(%dma_start3A_928 : memref<128x128xf32, #tpu.memory_space<vmem>>) offsets(%dma_start3A_931 : memref<128xi32, #tpu.memory_space<vmem>>) semaphore(%dma_start3A_936 : memref<!tpu.dma_semaphore, #tpu.memory_space<semaphore_mem>>)
      %dma_wait3A_937 = arith.constant 3 : i32
      %dma_wait3A_938 = arith.constant 3 : i32
      %dma_wait3A_939 = arith.constant 0 : i32
      %dma_wait3A_940 = arith.constant 0 : i32
      %dma_wait3A_941 = tpu.memref_slice %arg6[%dma_wait3A_937, %dma_wait3A_939, %dma_wait3A_940] : memref<5x128x128xf32, #tpu.memory_space<vmem>> -> memref<1x128x128xf32, #tpu.memory_space<vmem>>
      %dma_wait3A_942 = tpu.memref_squeeze %dma_wait3A_941 : memref<1x128x128xf32, #tpu.memory_space<vmem>> -> memref<128x128xf32, #tpu.memory_space<vmem>>
      %dma_wait3A_943 = arith.constant 0 : i32
      %dma_wait3A_944 = tpu.memref_slice %arg5[%add3A_897, %dma_wait3A_943] : memref<50x128xi32, #tpu.memory_space<vmem>> -> memref<1x128xi32, #tpu.memory_space<vmem>>
      %dma_wait3A_945 = tpu.memref_squeeze %dma_wait3A_944 : memref<1x128xi32, #tpu.memory_space<vmem>> -> memref<128xi32, #tpu.memory_space<vmem>>
      %dma_wait3A_946 = arith.constant 0 : i32
      %dma_wait3A_947 = arith.constant 0 : i32
      %dma_wait3A_948 = tpu.memref_slice %arg3[%dma_wait3A_946, %dma_wait3A_947] : memref<100000x128xf32, #tpu.memory_space<hbm>> -> memref<100000x128xf32, #tpu.memory_space<hbm>>
      %dma_wait3A_949 = tpu.memref_slice %arg7[%dma_wait3A_938] : memref<5x!tpu.dma_semaphore, #tpu.memory_space<semaphore_mem>> -> memref<1x!tpu.dma_semaphore, #tpu.memory_space<semaphore_mem>>
      %dma_wait3A_950 = tpu.memref_squeeze %dma_wait3A_949 : memref<1x!tpu.dma_semaphore, #tpu.memory_space<semaphore_mem>> -> memref<!tpu.dma_semaphore, #tpu.memory_space<semaphore_mem>>
      tpu.wait_indirect_dma semaphore(%dma_wait3A_950 : memref<!tpu.dma_semaphore, #tpu.memory_space<semaphore_mem>>) src(%dma_wait3A_948 : memref<100000x128xf32, #tpu.memory_space<hbm>>) dst(%dma_wait3A_942 : memref<128x128xf32, #tpu.memory_space<vmem>>)
      %mul3A_951 = arith.constant 128 : i32
      %mul3A_952 = arith.muli %add3A_897, %mul3A_951 : i32
      %add3A_953 = arith.addi %mul3A_2, %mul3A_952 : i32
      %dma_start3A_954 = arith.constant 3 : i32
      %dma_start3A_955 = arith.constant 3 : i32
      %dma_start3A_956 = arith.constant 0 : i32
      %dma_start3A_957 = arith.constant 0 : i32
      %dma_start3A_958 = tpu.memref_slice %arg6[%dma_start3A_954, %dma_start3A_956, %dma_start3A_957] : memref<5x128x128xf32, #tpu.memory_space<vmem>> -> memref<1x128x128xf32, #tpu.memory_space<vmem>>
      %dma_start3A_959 = tpu.memref_squeeze %dma_start3A_958 : memref<1x128x128xf32, #tpu.memory_space<vmem>> -> memref<128x128xf32, #tpu.memory_space<vmem>>
      %dma_start3A_960 = arith.constant 0 : i32
      %dma_start3A_961 = tpu.memref_slice %arg4[%add3A_953, %dma_start3A_960] : memref<204800x128xf32, #tpu.memory_space<hbm>> -> memref<128x128xf32, #tpu.memory_space<hbm>>
      %dma_start3A_962 = tpu.memref_slice %arg8[%dma_start3A_955] : memref<5x!tpu.dma_semaphore, #tpu.memory_space<semaphore_mem>> -> memref<1x!tpu.dma_semaphore, #tpu.memory_space<semaphore_mem>>
      %dma_start3A_963 = tpu.memref_squeeze %dma_start3A_962 : memref<1x!tpu.dma_semaphore, #tpu.memory_space<semaphore_mem>> -> memref<!tpu.dma_semaphore, #tpu.memory_space<semaphore_mem>>
      %dma_start3A_964 = arith.constant 0 : i32
      %dma_start3A_965 = tpu.memref_slice %arg4[%add3A_953, %dma_start3A_964] : memref<204800x128xf32, #tpu.memory_space<hbm>> -> memref<128x128xf32, #tpu.memory_space<hbm>>
      %dma_start3A_966 = arith.constant 0 : i32
      %dma_start3A_967 = arith.constant 0 : i32
      %dma_start3A_968 = tpu.memref_slice %arg6[%dma_start3A_954, %dma_start3A_966, %dma_start3A_967] : memref<5x128x128xf32, #tpu.memory_space<vmem>> -> memref<1x128x128xf32, #tpu.memory_space<vmem>>
      %dma_start3A_969 = tpu.memref_squeeze %dma_start3A_968 : memref<1x128x128xf32, #tpu.memory_space<vmem>> -> memref<128x128xf32, #tpu.memory_space<vmem>>
      tpu.enqueue_dma source(%dma_start3A_969 : memref<128x128xf32, #tpu.memory_space<vmem>>) target(%dma_start3A_965 : memref<128x128xf32, #tpu.memory_space<hbm>>) target_semaphore(%dma_start3A_963 : memref<!tpu.dma_semaphore, #tpu.memory_space<semaphore_mem>>)
      %mul3A_970 = arith.constant 5 : i32
      %mul3A_971 = arith.muli %scan3A_666, %mul3A_970 : i32
      %add3A_972 = arith.constant 4 : i32
      %add3A_973 = arith.addi %mul3A_971, %add3A_972 : i32
      %sub3A_974 = arith.constant 2 : i32
      %sub3A_975 = arith.subi %add3A_973, %sub3A_974 : i32
      %mul3A_976 = arith.constant 128 : i32
      %mul3A_977 = arith.muli %sub3A_975, %mul3A_976 : i32
      %add3A_978 = arith.addi %mul3A_2, %mul3A_977 : i32
      %dma_wait3A_979 = arith.constant 2 : i32
      %dma_wait3A_980 = arith.constant 2 : i32
      %dma_wait3A_981 = arith.constant 0 : i32
      %dma_wait3A_982 = arith.constant 0 : i32
      %dma_wait3A_983 = tpu.memref_slice %arg6[%dma_wait3A_979, %dma_wait3A_981, %dma_wait3A_982] : memref<5x128x128xf32, #tpu.memory_space<vmem>> -> memref<1x128x128xf32, #tpu.memory_space<vmem>>
      %dma_wait3A_984 = tpu.memref_squeeze %dma_wait3A_983 : memref<1x128x128xf32, #tpu.memory_space<vmem>> -> memref<128x128xf32, #tpu.memory_space<vmem>>
      %dma_wait3A_985 = arith.constant 0 : i32
      %dma_wait3A_986 = tpu.memref_slice %arg4[%add3A_978, %dma_wait3A_985] : memref<204800x128xf32, #tpu.memory_space<hbm>> -> memref<128x128xf32, #tpu.memory_space<hbm>>
      %dma_wait3A_987 = tpu.memref_slice %arg8[%dma_wait3A_980] : memref<5x!tpu.dma_semaphore, #tpu.memory_space<semaphore_mem>> -> memref<1x!tpu.dma_semaphore, #tpu.memory_space<semaphore_mem>>
      %dma_wait3A_988 = tpu.memref_squeeze %dma_wait3A_987 : memref<1x!tpu.dma_semaphore, #tpu.memory_space<semaphore_mem>> -> memref<!tpu.dma_semaphore, #tpu.memory_space<semaphore_mem>>
      %dma_wait3A_989 = arith.constant 0 : i32
      %dma_wait3A_990 = tpu.memref_slice %arg4[%add3A_978, %dma_wait3A_989] : memref<204800x128xf32, #tpu.memory_space<hbm>> -> memref<128x128xf32, #tpu.memory_space<hbm>>
      %dma_wait3A_991 = arith.constant 0 : i32
      %dma_wait3A_992 = arith.constant 0 : i32
      %dma_wait3A_993 = tpu.memref_slice %arg6[%dma_wait3A_979, %dma_wait3A_991, %dma_wait3A_992] : memref<5x128x128xf32, #tpu.memory_space<vmem>> -> memref<1x128x128xf32, #tpu.memory_space<vmem>>
      %dma_wait3A_994 = tpu.memref_squeeze %dma_wait3A_993 : memref<1x128x128xf32, #tpu.memory_space<vmem>> -> memref<128x128xf32, #tpu.memory_space<vmem>>
      tpu.wait_dma2 semaphore(%dma_wait3A_988 : memref<!tpu.dma_semaphore, #tpu.memory_space<semaphore_mem>>) src(%dma_wait3A_994 : memref<128x128xf32, #tpu.memory_space<vmem>>) dst(%dma_wait3A_990 : memref<128x128xf32, #tpu.memory_space<hbm>>)
      %add3A_995 = arith.constant 5 : i32
      %add3A_996 = arith.addi %add3A_973, %add3A_995 : i32
      %sub3A_997 = arith.constant 2 : i32
      %sub3A_998 = arith.subi %add3A_996, %sub3A_997 : i32
      %dma_start3A_999 = arith.constant 2 : i32
      %dma_start3A_1000 = arith.constant 2 : i32
      %dma_start3A_1001 = arith.constant 0 : i32
      %dma_start3A_1002 = arith.constant 0 : i32
      %dma_start3A_1003 = tpu.memref_slice %arg6[%dma_start3A_999, %dma_start3A_1001, %dma_start3A_1002] : memref<5x128x128xf32, #tpu.memory_space<vmem>> -> memref<1x128x128xf32, #tpu.memory_space<vmem>>
      %dma_start3A_1004 = tpu.memref_squeeze %dma_start3A_1003 : memref<1x128x128xf32, #tpu.memory_space<vmem>> -> memref<128x128xf32, #tpu.memory_space<vmem>>
      %dma_start3A_1005 = arith.constant 0 : i32
      %dma_start3A_1006 = tpu.memref_slice %arg5[%sub3A_998, %dma_start3A_1005] : memref<50x128xi32, #tpu.memory_space<vmem>> -> memref<1x128xi32, #tpu.memory_space<vmem>>
      %dma_start3A_1007 = tpu.memref_squeeze %dma_start3A_1006 : memref<1x128xi32, #tpu.memory_space<vmem>> -> memref<128xi32, #tpu.memory_space<vmem>>
      %dma_start3A_1008 = arith.constant 0 : i32
      %dma_start3A_1009 = arith.constant 0 : i32
      %dma_start3A_1010 = tpu.memref_slice %arg3[%dma_start3A_1008, %dma_start3A_1009] : memref<100000x128xf32, #tpu.memory_space<hbm>> -> memref<100000x128xf32, #tpu.memory_space<hbm>>
      %dma_start3A_1011 = tpu.memref_slice %arg7[%dma_start3A_1000] : memref<5x!tpu.dma_semaphore, #tpu.memory_space<semaphore_mem>> -> memref<1x!tpu.dma_semaphore, #tpu.memory_space<semaphore_mem>>
      %dma_start3A_1012 = tpu.memref_squeeze %dma_start3A_1011 : memref<1x!tpu.dma_semaphore, #tpu.memory_space<semaphore_mem>> -> memref<!tpu.dma_semaphore, #tpu.memory_space<semaphore_mem>>
      tpu.enqueue_indirect_dma source(%dma_start3A_1010 : memref<100000x128xf32, #tpu.memory_space<hbm>>) target(%dma_start3A_1004 : memref<128x128xf32, #tpu.memory_space<vmem>>) offsets(%dma_start3A_1007 : memref<128xi32, #tpu.memory_space<vmem>>) semaphore(%dma_start3A_1012 : memref<!tpu.dma_semaphore, #tpu.memory_space<semaphore_mem>>)
      %dma_wait3A_1013 = arith.constant 4 : i32
      %dma_wait3A_1014 = arith.constant 4 : i32
      %dma_wait3A_1015 = arith.constant 0 : i32
      %dma_wait3A_1016 = arith.constant 0 : i32
      %dma_wait3A_1017 = tpu.memref_slice %arg6[%dma_wait3A_1013, %dma_wait3A_1015, %dma_wait3A_1016] : memref<5x128x128xf32, #tpu.memory_space<vmem>> -> memref<1x128x128xf32, #tpu.memory_space<vmem>>
      %dma_wait3A_1018 = tpu.memref_squeeze %dma_wait3A_1017 : memref<1x128x128xf32, #tpu.memory_space<vmem>> -> memref<128x128xf32, #tpu.memory_space<vmem>>
      %dma_wait3A_1019 = arith.constant 0 : i32
      %dma_wait3A_1020 = tpu.memref_slice %arg5[%add3A_973, %dma_wait3A_1019] : memref<50x128xi32, #tpu.memory_space<vmem>> -> memref<1x128xi32, #tpu.memory_space<vmem>>
      %dma_wait3A_1021 = tpu.memref_squeeze %dma_wait3A_1020 : memref<1x128xi32, #tpu.memory_space<vmem>> -> memref<128xi32, #tpu.memory_space<vmem>>
      %dma_wait3A_1022 = arith.constant 0 : i32
      %dma_wait3A_1023 = arith.constant 0 : i32
      %dma_wait3A_1024 = tpu.memref_slice %arg3[%dma_wait3A_1022, %dma_wait3A_1023] : memref<100000x128xf32, #tpu.memory_space<hbm>> -> memref<100000x128xf32, #tpu.memory_space<hbm>>
      %dma_wait3A_1025 = tpu.memref_slice %arg7[%dma_wait3A_1014] : memref<5x!tpu.dma_semaphore, #tpu.memory_space<semaphore_mem>> -> memref<1x!tpu.dma_semaphore, #tpu.memory_space<semaphore_mem>>
      %dma_wait3A_1026 = tpu.memref_squeeze %dma_wait3A_1025 : memref<1x!tpu.dma_semaphore, #tpu.memory_space<semaphore_mem>> -> memref<!tpu.dma_semaphore, #tpu.memory_space<semaphore_mem>>
      tpu.wait_indirect_dma semaphore(%dma_wait3A_1026 : memref<!tpu.dma_semaphore, #tpu.memory_space<semaphore_mem>>) src(%dma_wait3A_1024 : memref<100000x128xf32, #tpu.memory_space<hbm>>) dst(%dma_wait3A_1018 : memref<128x128xf32, #tpu.memory_space<vmem>>)
      %mul3A_1027 = arith.constant 128 : i32
      %mul3A_1028 = arith.muli %add3A_973, %mul3A_1027 : i32
      %add3A_1029 = arith.addi %mul3A_2, %mul3A_1028 : i32
      %dma_start3A_1030 = arith.constant 4 : i32
      %dma_start3A_1031 = arith.constant 4 : i32
      %dma_start3A_1032 = arith.constant 0 : i32
      %dma_start3A_1033 = arith.constant 0 : i32
      %dma_start3A_1034 = tpu.memref_slice %arg6[%dma_start3A_1030, %dma_start3A_1032, %dma_start3A_1033] : memref<5x128x128xf32, #tpu.memory_space<vmem>> -> memref<1x128x128xf32, #tpu.memory_space<vmem>>
      %dma_start3A_1035 = tpu.memref_squeeze %dma_start3A_1034 : memref<1x128x128xf32, #tpu.memory_space<vmem>> -> memref<128x128xf32, #tpu.memory_space<vmem>>
      %dma_start3A_1036 = arith.constant 0 : i32
      %dma_start3A_1037 = tpu.memref_slice %arg4[%add3A_1029, %dma_start3A_1036] : memref<204800x128xf32, #tpu.memory_space<hbm>> -> memref<128x128xf32, #tpu.memory_space<hbm>>
      %dma_start3A_1038 = tpu.memref_slice %arg8[%dma_start3A_1031] : memref<5x!tpu.dma_semaphore, #tpu.memory_space<semaphore_mem>> -> memref<1x!tpu.dma_semaphore, #tpu.memory_space<semaphore_mem>>
      %dma_start3A_1039 = tpu.memref_squeeze %dma_start3A_1038 : memref<1x!tpu.dma_semaphore, #tpu.memory_space<semaphore_mem>> -> memref<!tpu.dma_semaphore, #tpu.memory_space<semaphore_mem>>
      %dma_start3A_1040 = arith.constant 0 : i32
      %dma_start3A_1041 = tpu.memref_slice %arg4[%add3A_1029, %dma_start3A_1040] : memref<204800x128xf32, #tpu.memory_space<hbm>> -> memref<128x128xf32, #tpu.memory_space<hbm>>
      %dma_start3A_1042 = arith.constant 0 : i32
      %dma_start3A_1043 = arith.constant 0 : i32
      %dma_start3A_1044 = tpu.memref_slice %arg6[%dma_start3A_1030, %dma_start3A_1042, %dma_start3A_1043] : memref<5x128x128xf32, #tpu.memory_space<vmem>> -> memref<1x128x128xf32, #tpu.memory_space<vmem>>
      %dma_start3A_1045 = tpu.memref_squeeze %dma_start3A_1044 : memref<1x128x128xf32, #tpu.memory_space<vmem>> -> memref<128x128xf32, #tpu.memory_space<vmem>>
      tpu.enqueue_dma source(%dma_start3A_1045 : memref<128x128xf32, #tpu.memory_space<vmem>>) target(%dma_start3A_1041 : memref<128x128xf32, #tpu.memory_space<hbm>>) target_semaphore(%dma_start3A_1039 : memref<!tpu.dma_semaphore, #tpu.memory_space<semaphore_mem>>)
    }
    %scan3A_344 = arith.constant 8 : i32
    %add3A_345 = arith.constant 5504 : i32
    %add3A_346 = arith.addi %mul3A_2, %add3A_345 : i32
    %dma_wait3A_347 = arith.constant 3 : i32
    %dma_wait3A_348 = arith.constant 3 : i32
    %dma_wait3A_349 = arith.constant 0 : i32
    %dma_wait3A_350 = arith.constant 0 : i32
    %dma_wait3A_351 = tpu.memref_slice %arg6[%dma_wait3A_347, %dma_wait3A_349, %dma_wait3A_350] : memref<5x128x128xf32, #tpu.memory_space<vmem>> -> memref<1x128x128xf32, #tpu.memory_space<vmem>>
    %dma_wait3A_352 = tpu.memref_squeeze %dma_wait3A_351 : memref<1x128x128xf32, #tpu.memory_space<vmem>> -> memref<128x128xf32, #tpu.memory_space<vmem>>
    %dma_wait3A_353 = arith.constant 0 : i32
    %dma_wait3A_354 = tpu.memref_slice %arg4[%add3A_346, %dma_wait3A_353] : memref<204800x128xf32, #tpu.memory_space<hbm>> -> memref<128x128xf32, #tpu.memory_space<hbm>>
    %dma_wait3A_355 = tpu.memref_slice %arg8[%dma_wait3A_348] : memref<5x!tpu.dma_semaphore, #tpu.memory_space<semaphore_mem>> -> memref<1x!tpu.dma_semaphore, #tpu.memory_space<semaphore_mem>>
    %dma_wait3A_356 = tpu.memref_squeeze %dma_wait3A_355 : memref<1x!tpu.dma_semaphore, #tpu.memory_space<semaphore_mem>> -> memref<!tpu.dma_semaphore, #tpu.memory_space<semaphore_mem>>
    %dma_wait3A_357 = arith.constant 0 : i32
    %dma_wait3A_358 = tpu.memref_slice %arg4[%add3A_346, %dma_wait3A_357] : memref<204800x128xf32, #tpu.memory_space<hbm>> -> memref<128x128xf32, #tpu.memory_space<hbm>>
    %dma_wait3A_359 = arith.constant 0 : i32
    %dma_wait3A_360 = arith.constant 0 : i32
    %dma_wait3A_361 = tpu.memref_slice %arg6[%dma_wait3A_347, %dma_wait3A_359, %dma_wait3A_360] : memref<5x128x128xf32, #tpu.memory_space<vmem>> -> memref<1x128x128xf32, #tpu.memory_space<vmem>>
    %dma_wait3A_362 = tpu.memref_squeeze %dma_wait3A_361 : memref<1x128x128xf32, #tpu.memory_space<vmem>> -> memref<128x128xf32, #tpu.memory_space<vmem>>
    tpu.wait_dma2 semaphore(%dma_wait3A_356 : memref<!tpu.dma_semaphore, #tpu.memory_space<semaphore_mem>>) src(%dma_wait3A_362 : memref<128x128xf32, #tpu.memory_space<vmem>>) dst(%dma_wait3A_358 : memref<128x128xf32, #tpu.memory_space<hbm>>)
    %dma_start3A_363 = arith.constant 48 : i32
    %dma_start3A_364 = arith.constant 3 : i32
    %dma_start3A_365 = arith.constant 3 : i32
    %dma_start3A_366 = arith.constant 0 : i32
    %dma_start3A_367 = arith.constant 0 : i32
    %dma_start3A_368 = tpu.memref_slice %arg6[%dma_start3A_364, %dma_start3A_366, %dma_start3A_367] : memref<5x128x128xf32, #tpu.memory_space<vmem>> -> memref<1x128x128xf32, #tpu.memory_space<vmem>>
    %dma_start3A_369 = tpu.memref_squeeze %dma_start3A_368 : memref<1x128x128xf32, #tpu.memory_space<vmem>> -> memref<128x128xf32, #tpu.memory_space<vmem>>
    %dma_start3A_370 = arith.constant 0 : i32
    %dma_start3A_371 = tpu.memref_slice %arg5[%dma_start3A_363, %dma_start3A_370] : memref<50x128xi32, #tpu.memory_space<vmem>> -> memref<1x128xi32, #tpu.memory_space<vmem>>
    %dma_start3A_372 = tpu.memref_squeeze %dma_start3A_371 : memref<1x128xi32, #tpu.memory_space<vmem>> -> memref<128xi32, #tpu.memory_space<vmem>>
    %dma_start3A_373 = arith.constant 0 : i32
    %dma_start3A_374 = arith.constant 0 : i32
    %dma_start3A_375 = tpu.memref_slice %arg3[%dma_start3A_373, %dma_start3A_374] : memref<100000x128xf32, #tpu.memory_space<hbm>> -> memref<100000x128xf32, #tpu.memory_space<hbm>>
    %dma_start3A_376 = tpu.memref_slice %arg7[%dma_start3A_365] : memref<5x!tpu.dma_semaphore, #tpu.memory_space<semaphore_mem>> -> memref<1x!tpu.dma_semaphore, #tpu.memory_space<semaphore_mem>>
    %dma_start3A_377 = tpu.memref_squeeze %dma_start3A_376 : memref<1x!tpu.dma_semaphore, #tpu.memory_space<semaphore_mem>> -> memref<!tpu.dma_semaphore, #tpu.memory_space<semaphore_mem>>
    tpu.enqueue_indirect_dma source(%dma_start3A_375 : memref<100000x128xf32, #tpu.memory_space<hbm>>) target(%dma_start3A_369 : memref<128x128xf32, #tpu.memory_space<vmem>>) offsets(%dma_start3A_372 : memref<128xi32, #tpu.memory_space<vmem>>) semaphore(%dma_start3A_377 : memref<!tpu.dma_semaphore, #tpu.memory_space<semaphore_mem>>)
    %dma_wait3A_378 = arith.constant 45 : i32
    %dma_wait3A_379 = arith.constant 0 : i32
    %dma_wait3A_380 = arith.constant 0 : i32
    %dma_wait3A_381 = arith.constant 0 : i32
    %dma_wait3A_382 = arith.constant 0 : i32
    %dma_wait3A_383 = tpu.memref_slice %arg6[%dma_wait3A_379, %dma_wait3A_381, %dma_wait3A_382] : memref<5x128x128xf32, #tpu.memory_space<vmem>> -> memref<1x128x128xf32, #tpu.memory_space<vmem>>
    %dma_wait3A_384 = tpu.memref_squeeze %dma_wait3A_383 : memref<1x128x128xf32, #tpu.memory_space<vmem>> -> memref<128x128xf32, #tpu.memory_space<vmem>>
    %dma_wait3A_385 = arith.constant 0 : i32
    %dma_wait3A_386 = tpu.memref_slice %arg5[%dma_wait3A_378, %dma_wait3A_385] : memref<50x128xi32, #tpu.memory_space<vmem>> -> memref<1x128xi32, #tpu.memory_space<vmem>>
    %dma_wait3A_387 = tpu.memref_squeeze %dma_wait3A_386 : memref<1x128xi32, #tpu.memory_space<vmem>> -> memref<128xi32, #tpu.memory_space<vmem>>
    %dma_wait3A_388 = arith.constant 0 : i32
    %dma_wait3A_389 = arith.constant 0 : i32
    %dma_wait3A_390 = tpu.memref_slice %arg3[%dma_wait3A_388, %dma_wait3A_389] : memref<100000x128xf32, #tpu.memory_space<hbm>> -> memref<100000x128xf32, #tpu.memory_space<hbm>>
    %dma_wait3A_391 = tpu.memref_slice %arg7[%dma_wait3A_380] : memref<5x!tpu.dma_semaphore, #tpu.memory_space<semaphore_mem>> -> memref<1x!tpu.dma_semaphore, #tpu.memory_space<semaphore_mem>>
    %dma_wait3A_392 = tpu.memref_squeeze %dma_wait3A_391 : memref<1x!tpu.dma_semaphore, #tpu.memory_space<semaphore_mem>> -> memref<!tpu.dma_semaphore, #tpu.memory_space<semaphore_mem>>
    tpu.wait_indirect_dma semaphore(%dma_wait3A_392 : memref<!tpu.dma_semaphore, #tpu.memory_space<semaphore_mem>>) src(%dma_wait3A_390 : memref<100000x128xf32, #tpu.memory_space<hbm>>) dst(%dma_wait3A_384 : memref<128x128xf32, #tpu.memory_space<vmem>>)
    %add3A_393 = arith.constant 5760 : i32
    %add3A_394 = arith.addi %mul3A_2, %add3A_393 : i32
    %dma_start3A_395 = arith.constant 0 : i32
    %dma_start3A_396 = arith.constant 0 : i32
    %dma_start3A_397 = arith.constant 0 : i32
    %dma_start3A_398 = arith.constant 0 : i32
    %dma_start3A_399 = tpu.memref_slice %arg6[%dma_start3A_395, %dma_start3A_397, %dma_start3A_398] : memref<5x128x128xf32, #tpu.memory_space<vmem>> -> memref<1x128x128xf32, #tpu.memory_space<vmem>>
    %dma_start3A_400 = tpu.memref_squeeze %dma_start3A_399 : memref<1x128x128xf32, #tpu.memory_space<vmem>> -> memref<128x128xf32, #tpu.memory_space<vmem>>
    %dma_start3A_401 = arith.constant 0 : i32
    %dma_start3A_402 = tpu.memref_slice %arg4[%add3A_394, %dma_start3A_401] : memref<204800x128xf32, #tpu.memory_space<hbm>> -> memref<128x128xf32, #tpu.memory_space<hbm>>
    %dma_start3A_403 = tpu.memref_slice %arg8[%dma_start3A_396] : memref<5x!tpu.dma_semaphore, #tpu.memory_space<semaphore_mem>> -> memref<1x!tpu.dma_semaphore, #tpu.memory_space<semaphore_mem>>
    %dma_start3A_404 = tpu.memref_squeeze %dma_start3A_403 : memref<1x!tpu.dma_semaphore, #tpu.memory_space<semaphore_mem>> -> memref<!tpu.dma_semaphore, #tpu.memory_space<semaphore_mem>>
    %dma_start3A_405 = arith.constant 0 : i32
    %dma_start3A_406 = tpu.memref_slice %arg4[%add3A_394, %dma_start3A_405] : memref<204800x128xf32, #tpu.memory_space<hbm>> -> memref<128x128xf32, #tpu.memory_space<hbm>>
    %dma_start3A_407 = arith.constant 0 : i32
    %dma_start3A_408 = arith.constant 0 : i32
    %dma_start3A_409 = tpu.memref_slice %arg6[%dma_start3A_395, %dma_start3A_407, %dma_start3A_408] : memref<5x128x128xf32, #tpu.memory_space<vmem>> -> memref<1x128x128xf32, #tpu.memory_space<vmem>>
    %dma_start3A_410 = tpu.memref_squeeze %dma_start3A_409 : memref<1x128x128xf32, #tpu.memory_space<vmem>> -> memref<128x128xf32, #tpu.memory_space<vmem>>
    tpu.enqueue_dma source(%dma_start3A_410 : memref<128x128xf32, #tpu.memory_space<vmem>>) target(%dma_start3A_406 : memref<128x128xf32, #tpu.memory_space<hbm>>) target_semaphore(%dma_start3A_404 : memref<!tpu.dma_semaphore, #tpu.memory_space<semaphore_mem>>)
    %add3A_411 = arith.constant 5632 : i32
    %add3A_412 = arith.addi %mul3A_2, %add3A_411 : i32
    %dma_wait3A_413 = arith.constant 4 : i32
    %dma_wait3A_414 = arith.constant 4 : i32
    %dma_wait3A_415 = arith.constant 0 : i32
    %dma_wait3A_416 = arith.constant 0 : i32
    %dma_wait3A_417 = tpu.memref_slice %arg6[%dma_wait3A_413, %dma_wait3A_415, %dma_wait3A_416] : memref<5x128x128xf32, #tpu.memory_space<vmem>> -> memref<1x128x128xf32, #tpu.memory_space<vmem>>
    %dma_wait3A_418 = tpu.memref_squeeze %dma_wait3A_417 : memref<1x128x128xf32, #tpu.memory_space<vmem>> -> memref<128x128xf32, #tpu.memory_space<vmem>>
    %dma_wait3A_419 = arith.constant 0 : i32
    %dma_wait3A_420 = tpu.memref_slice %arg4[%add3A_412, %dma_wait3A_419] : memref<204800x128xf32, #tpu.memory_space<hbm>> -> memref<128x128xf32, #tpu.memory_space<hbm>>
    %dma_wait3A_421 = tpu.memref_slice %arg8[%dma_wait3A_414] : memref<5x!tpu.dma_semaphore, #tpu.memory_space<semaphore_mem>> -> memref<1x!tpu.dma_semaphore, #tpu.memory_space<semaphore_mem>>
    %dma_wait3A_422 = tpu.memref_squeeze %dma_wait3A_421 : memref<1x!tpu.dma_semaphore, #tpu.memory_space<semaphore_mem>> -> memref<!tpu.dma_semaphore, #tpu.memory_space<semaphore_mem>>
    %dma_wait3A_423 = arith.constant 0 : i32
    %dma_wait3A_424 = tpu.memref_slice %arg4[%add3A_412, %dma_wait3A_423] : memref<204800x128xf32, #tpu.memory_space<hbm>> -> memref<128x128xf32, #tpu.memory_space<hbm>>
    %dma_wait3A_425 = arith.constant 0 : i32
    %dma_wait3A_426 = arith.constant 0 : i32
    %dma_wait3A_427 = tpu.memref_slice %arg6[%dma_wait3A_413, %dma_wait3A_425, %dma_wait3A_426] : memref<5x128x128xf32, #tpu.memory_space<vmem>> -> memref<1x128x128xf32, #tpu.memory_space<vmem>>
    %dma_wait3A_428 = tpu.memref_squeeze %dma_wait3A_427 : memref<1x128x128xf32, #tpu.memory_space<vmem>> -> memref<128x128xf32, #tpu.memory_space<vmem>>
    tpu.wait_dma2 semaphore(%dma_wait3A_422 : memref<!tpu.dma_semaphore, #tpu.memory_space<semaphore_mem>>) src(%dma_wait3A_428 : memref<128x128xf32, #tpu.memory_space<vmem>>) dst(%dma_wait3A_424 : memref<128x128xf32, #tpu.memory_space<hbm>>)
    %dma_start3A_429 = arith.constant 49 : i32
    %dma_start3A_430 = arith.constant 4 : i32
    %dma_start3A_431 = arith.constant 4 : i32
    %dma_start3A_432 = arith.constant 0 : i32
    %dma_start3A_433 = arith.constant 0 : i32
    %dma_start3A_434 = tpu.memref_slice %arg6[%dma_start3A_430, %dma_start3A_432, %dma_start3A_433] : memref<5x128x128xf32, #tpu.memory_space<vmem>> -> memref<1x128x128xf32, #tpu.memory_space<vmem>>
    %dma_start3A_435 = tpu.memref_squeeze %dma_start3A_434 : memref<1x128x128xf32, #tpu.memory_space<vmem>> -> memref<128x128xf32, #tpu.memory_space<vmem>>
    %dma_start3A_436 = arith.constant 0 : i32
    %dma_start3A_437 = tpu.memref_slice %arg5[%dma_start3A_429, %dma_start3A_436] : memref<50x128xi32, #tpu.memory_space<vmem>> -> memref<1x128xi32, #tpu.memory_space<vmem>>
    %dma_start3A_438 = tpu.memref_squeeze %dma_start3A_437 : memref<1x128xi32, #tpu.memory_space<vmem>> -> memref<128xi32, #tpu.memory_space<vmem>>
    %dma_start3A_439 = arith.constant 0 : i32
    %dma_start3A_440 = arith.constant 0 : i32
    %dma_start3A_441 = tpu.memref_slice %arg3[%dma_start3A_439, %dma_start3A_440] : memref<100000x128xf32, #tpu.memory_space<hbm>> -> memref<100000x128xf32, #tpu.memory_space<hbm>>
    %dma_start3A_442 = tpu.memref_slice %arg7[%dma_start3A_431] : memref<5x!tpu.dma_semaphore, #tpu.memory_space<semaphore_mem>> -> memref<1x!tpu.dma_semaphore, #tpu.memory_space<semaphore_mem>>
    %dma_start3A_443 = tpu.memref_squeeze %dma_start3A_442 : memref<1x!tpu.dma_semaphore, #tpu.memory_space<semaphore_mem>> -> memref<!tpu.dma_semaphore, #tpu.memory_space<semaphore_mem>>
    tpu.enqueue_indirect_dma source(%dma_start3A_441 : memref<100000x128xf32, #tpu.memory_space<hbm>>) target(%dma_start3A_435 : memref<128x128xf32, #tpu.memory_space<vmem>>) offsets(%dma_start3A_438 : memref<128xi32, #tpu.memory_space<vmem>>) semaphore(%dma_start3A_443 : memref<!tpu.dma_semaphore, #tpu.memory_space<semaphore_mem>>)
    %dma_wait3A_444 = arith.constant 46 : i32
    %dma_wait3A_445 = arith.constant 1 : i32
    %dma_wait3A_446 = arith.constant 1 : i32
    %dma_wait3A_447 = arith.constant 0 : i32
    %dma_wait3A_448 = arith.constant 0 : i32
    %dma_wait3A_449 = tpu.memref_slice %arg6[%dma_wait3A_445, %dma_wait3A_447, %dma_wait3A_448] : memref<5x128x128xf32, #tpu.memory_space<vmem>> -> memref<1x128x128xf32, #tpu.memory_space<vmem>>
    %dma_wait3A_450 = tpu.memref_squeeze %dma_wait3A_449 : memref<1x128x128xf32, #tpu.memory_space<vmem>> -> memref<128x128xf32, #tpu.memory_space<vmem>>
    %dma_wait3A_451 = arith.constant 0 : i32
    %dma_wait3A_452 = tpu.memref_slice %arg5[%dma_wait3A_444, %dma_wait3A_451] : memref<50x128xi32, #tpu.memory_space<vmem>> -> memref<1x128xi32, #tpu.memory_space<vmem>>
    %dma_wait3A_453 = tpu.memref_squeeze %dma_wait3A_452 : memref<1x128xi32, #tpu.memory_space<vmem>> -> memref<128xi32, #tpu.memory_space<vmem>>
    %dma_wait3A_454 = arith.constant 0 : i32
    %dma_wait3A_455 = arith.constant 0 : i32
    %dma_wait3A_456 = tpu.memref_slice %arg3[%dma_wait3A_454, %dma_wait3A_455] : memref<100000x128xf32, #tpu.memory_space<hbm>> -> memref<100000x128xf32, #tpu.memory_space<hbm>>
    %dma_wait3A_457 = tpu.memref_slice %arg7[%dma_wait3A_446] : memref<5x!tpu.dma_semaphore, #tpu.memory_space<semaphore_mem>> -> memref<1x!tpu.dma_semaphore, #tpu.memory_space<semaphore_mem>>
    %dma_wait3A_458 = tpu.memref_squeeze %dma_wait3A_457 : memref<1x!tpu.dma_semaphore, #tpu.memory_space<semaphore_mem>> -> memref<!tpu.dma_semaphore, #tpu.memory_space<semaphore_mem>>
    tpu.wait_indirect_dma semaphore(%dma_wait3A_458 : memref<!tpu.dma_semaphore, #tpu.memory_space<semaphore_mem>>) src(%dma_wait3A_456 : memref<100000x128xf32, #tpu.memory_space<hbm>>) dst(%dma_wait3A_450 : memref<128x128xf32, #tpu.memory_space<vmem>>)
    %add3A_459 = arith.constant 5888 : i32
    %add3A_460 = arith.addi %mul3A_2, %add3A_459 : i32
    %dma_start3A_461 = arith.constant 1 : i32
    %dma_start3A_462 = arith.constant 1 : i32
    %dma_start3A_463 = arith.constant 0 : i32
    %dma_start3A_464 = arith.constant 0 : i32
    %dma_start3A_465 = tpu.memref_slice %arg6[%dma_start3A_461, %dma_start3A_463, %dma_start3A_464] : memref<5x128x128xf32, #tpu.memory_space<vmem>> -> memref<1x128x128xf32, #tpu.memory_space<vmem>>
    %dma_start3A_466 = tpu.memref_squeeze %dma_start3A_465 : memref<1x128x128xf32, #tpu.memory_space<vmem>> -> memref<128x128xf32, #tpu.memory_space<vmem>>
    %dma_start3A_467 = arith.constant 0 : i32
    %dma_start3A_468 = tpu.memref_slice %arg4[%add3A_460, %dma_start3A_467] : memref<204800x128xf32, #tpu.memory_space<hbm>> -> memref<128x128xf32, #tpu.memory_space<hbm>>
    %dma_start3A_469 = tpu.memref_slice %arg8[%dma_start3A_462] : memref<5x!tpu.dma_semaphore, #tpu.memory_space<semaphore_mem>> -> memref<1x!tpu.dma_semaphore, #tpu.memory_space<semaphore_mem>>
    %dma_start3A_470 = tpu.memref_squeeze %dma_start3A_469 : memref<1x!tpu.dma_semaphore, #tpu.memory_space<semaphore_mem>> -> memref<!tpu.dma_semaphore, #tpu.memory_space<semaphore_mem>>
    %dma_start3A_471 = arith.constant 0 : i32
    %dma_start3A_472 = tpu.memref_slice %arg4[%add3A_460, %dma_start3A_471] : memref<204800x128xf32, #tpu.memory_space<hbm>> -> memref<128x128xf32, #tpu.memory_space<hbm>>
    %dma_start3A_473 = arith.constant 0 : i32
    %dma_start3A_474 = arith.constant 0 : i32
    %dma_start3A_475 = tpu.memref_slice %arg6[%dma_start3A_461, %dma_start3A_473, %dma_start3A_474] : memref<5x128x128xf32, #tpu.memory_space<vmem>> -> memref<1x128x128xf32, #tpu.memory_space<vmem>>
    %dma_start3A_476 = tpu.memref_squeeze %dma_start3A_475 : memref<1x128x128xf32, #tpu.memory_space<vmem>> -> memref<128x128xf32, #tpu.memory_space<vmem>>
    tpu.enqueue_dma source(%dma_start3A_476 : memref<128x128xf32, #tpu.memory_space<vmem>>) target(%dma_start3A_472 : memref<128x128xf32, #tpu.memory_space<hbm>>) target_semaphore(%dma_start3A_470 : memref<!tpu.dma_semaphore, #tpu.memory_space<semaphore_mem>>)
    %add3A_477 = arith.constant 5760 : i32
    %add3A_478 = arith.addi %mul3A_2, %add3A_477 : i32
    %dma_wait3A_479 = arith.constant 0 : i32
    %dma_wait3A_480 = arith.constant 0 : i32
    %dma_wait3A_481 = arith.constant 0 : i32
    %dma_wait3A_482 = arith.constant 0 : i32
    %dma_wait3A_483 = tpu.memref_slice %arg6[%dma_wait3A_479, %dma_wait3A_481, %dma_wait3A_482] : memref<5x128x128xf32, #tpu.memory_space<vmem>> -> memref<1x128x128xf32, #tpu.memory_space<vmem>>
    %dma_wait3A_484 = tpu.memref_squeeze %dma_wait3A_483 : memref<1x128x128xf32, #tpu.memory_space<vmem>> -> memref<128x128xf32, #tpu.memory_space<vmem>>
    %dma_wait3A_485 = arith.constant 0 : i32
    %dma_wait3A_486 = tpu.memref_slice %arg4[%add3A_478, %dma_wait3A_485] : memref<204800x128xf32, #tpu.memory_space<hbm>> -> memref<128x128xf32, #tpu.memory_space<hbm>>
    %dma_wait3A_487 = tpu.memref_slice %arg8[%dma_wait3A_480] : memref<5x!tpu.dma_semaphore, #tpu.memory_space<semaphore_mem>> -> memref<1x!tpu.dma_semaphore, #tpu.memory_space<semaphore_mem>>
    %dma_wait3A_488 = tpu.memref_squeeze %dma_wait3A_487 : memref<1x!tpu.dma_semaphore, #tpu.memory_space<semaphore_mem>> -> memref<!tpu.dma_semaphore, #tpu.memory_space<semaphore_mem>>
    %dma_wait3A_489 = arith.constant 0 : i32
    %dma_wait3A_490 = tpu.memref_slice %arg4[%add3A_478, %dma_wait3A_489] : memref<204800x128xf32, #tpu.memory_space<hbm>> -> memref<128x128xf32, #tpu.memory_space<hbm>>
    %dma_wait3A_491 = arith.constant 0 : i32
    %dma_wait3A_492 = arith.constant 0 : i32
    %dma_wait3A_493 = tpu.memref_slice %arg6[%dma_wait3A_479, %dma_wait3A_491, %dma_wait3A_492] : memref<5x128x128xf32, #tpu.memory_space<vmem>> -> memref<1x128x128xf32, #tpu.memory_space<vmem>>
    %dma_wait3A_494 = tpu.memref_squeeze %dma_wait3A_493 : memref<1x128x128xf32, #tpu.memory_space<vmem>> -> memref<128x128xf32, #tpu.memory_space<vmem>>
    tpu.wait_dma2 semaphore(%dma_wait3A_488 : memref<!tpu.dma_semaphore, #tpu.memory_space<semaphore_mem>>) src(%dma_wait3A_494 : memref<128x128xf32, #tpu.memory_space<vmem>>) dst(%dma_wait3A_490 : memref<128x128xf32, #tpu.memory_space<hbm>>)
    %dma_wait3A_495 = arith.constant 47 : i32
    %dma_wait3A_496 = arith.constant 2 : i32
    %dma_wait3A_497 = arith.constant 2 : i32
    %dma_wait3A_498 = arith.constant 0 : i32
    %dma_wait3A_499 = arith.constant 0 : i32
    %dma_wait3A_500 = tpu.memref_slice %arg6[%dma_wait3A_496, %dma_wait3A_498, %dma_wait3A_499] : memref<5x128x128xf32, #tpu.memory_space<vmem>> -> memref<1x128x128xf32, #tpu.memory_space<vmem>>
    %dma_wait3A_501 = tpu.memref_squeeze %dma_wait3A_500 : memref<1x128x128xf32, #tpu.memory_space<vmem>> -> memref<128x128xf32, #tpu.memory_space<vmem>>
    %dma_wait3A_502 = arith.constant 0 : i32
    %dma_wait3A_503 = tpu.memref_slice %arg5[%dma_wait3A_495, %dma_wait3A_502] : memref<50x128xi32, #tpu.memory_space<vmem>> -> memref<1x128xi32, #tpu.memory_space<vmem>>
    %dma_wait3A_504 = tpu.memref_squeeze %dma_wait3A_503 : memref<1x128xi32, #tpu.memory_space<vmem>> -> memref<128xi32, #tpu.memory_space<vmem>>
    %dma_wait3A_505 = arith.constant 0 : i32
    %dma_wait3A_506 = arith.constant 0 : i32
    %dma_wait3A_507 = tpu.memref_slice %arg3[%dma_wait3A_505, %dma_wait3A_506] : memref<100000x128xf32, #tpu.memory_space<hbm>> -> memref<100000x128xf32, #tpu.memory_space<hbm>>
    %dma_wait3A_508 = tpu.memref_slice %arg7[%dma_wait3A_497] : memref<5x!tpu.dma_semaphore, #tpu.memory_space<semaphore_mem>> -> memref<1x!tpu.dma_semaphore, #tpu.memory_space<semaphore_mem>>
    %dma_wait3A_509 = tpu.memref_squeeze %dma_wait3A_508 : memref<1x!tpu.dma_semaphore, #tpu.memory_space<semaphore_mem>> -> memref<!tpu.dma_semaphore, #tpu.memory_space<semaphore_mem>>
    tpu.wait_indirect_dma semaphore(%dma_wait3A_509 : memref<!tpu.dma_semaphore, #tpu.memory_space<semaphore_mem>>) src(%dma_wait3A_507 : memref<100000x128xf32, #tpu.memory_space<hbm>>) dst(%dma_wait3A_501 : memref<128x128xf32, #tpu.memory_space<vmem>>)
    %add3A_510 = arith.constant 6016 : i32
    %add3A_511 = arith.addi %mul3A_2, %add3A_510 : i32
    %dma_start3A_512 = arith.constant 2 : i32
    %dma_start3A_513 = arith.constant 2 : i32
    %dma_start3A_514 = arith.constant 0 : i32
    %dma_start3A_515 = arith.constant 0 : i32
    %dma_start3A_516 = tpu.memref_slice %arg6[%dma_start3A_512, %dma_start3A_514, %dma_start3A_515] : memref<5x128x128xf32, #tpu.memory_space<vmem>> -> memref<1x128x128xf32, #tpu.memory_space<vmem>>
    %dma_start3A_517 = tpu.memref_squeeze %dma_start3A_516 : memref<1x128x128xf32, #tpu.memory_space<vmem>> -> memref<128x128xf32, #tpu.memory_space<vmem>>
    %dma_start3A_518 = arith.constant 0 : i32
    %dma_start3A_519 = tpu.memref_slice %arg4[%add3A_511, %dma_start3A_518] : memref<204800x128xf32, #tpu.memory_space<hbm>> -> memref<128x128xf32, #tpu.memory_space<hbm>>
    %dma_start3A_520 = tpu.memref_slice %arg8[%dma_start3A_513] : memref<5x!tpu.dma_semaphore, #tpu.memory_space<semaphore_mem>> -> memref<1x!tpu.dma_semaphore, #tpu.memory_space<semaphore_mem>>
    %dma_start3A_521 = tpu.memref_squeeze %dma_start3A_520 : memref<1x!tpu.dma_semaphore, #tpu.memory_space<semaphore_mem>> -> memref<!tpu.dma_semaphore, #tpu.memory_space<semaphore_mem>>
    %dma_start3A_522 = arith.constant 0 : i32
    %dma_start3A_523 = tpu.memref_slice %arg4[%add3A_511, %dma_start3A_522] : memref<204800x128xf32, #tpu.memory_space<hbm>> -> memref<128x128xf32, #tpu.memory_space<hbm>>
    %dma_start3A_524 = arith.constant 0 : i32
    %dma_start3A_525 = arith.constant 0 : i32
    %dma_start3A_526 = tpu.memref_slice %arg6[%dma_start3A_512, %dma_start3A_524, %dma_start3A_525] : memref<5x128x128xf32, #tpu.memory_space<vmem>> -> memref<1x128x128xf32, #tpu.memory_space<vmem>>
    %dma_start3A_527 = tpu.memref_squeeze %dma_start3A_526 : memref<1x128x128xf32, #tpu.memory_space<vmem>> -> memref<128x128xf32, #tpu.memory_space<vmem>>
    tpu.enqueue_dma source(%dma_start3A_527 : memref<128x128xf32, #tpu.memory_space<vmem>>) target(%dma_start3A_523 : memref<128x128xf32, #tpu.memory_space<hbm>>) target_semaphore(%dma_start3A_521 : memref<!tpu.dma_semaphore, #tpu.memory_space<semaphore_mem>>)
    %add3A_528 = arith.constant 5888 : i32
    %add3A_529 = arith.addi %mul3A_2, %add3A_528 : i32
    %dma_wait3A_530 = arith.constant 1 : i32
    %dma_wait3A_531 = arith.constant 1 : i32
    %dma_wait3A_532 = arith.constant 0 : i32
    %dma_wait3A_533 = arith.constant 0 : i32
    %dma_wait3A_534 = tpu.memref_slice %arg6[%dma_wait3A_530, %dma_wait3A_532, %dma_wait3A_533] : memref<5x128x128xf32, #tpu.memory_space<vmem>> -> memref<1x128x128xf32, #tpu.memory_space<vmem>>
    %dma_wait3A_535 = tpu.memref_squeeze %dma_wait3A_534 : memref<1x128x128xf32, #tpu.memory_space<vmem>> -> memref<128x128xf32, #tpu.memory_space<vmem>>
    %dma_wait3A_536 = arith.constant 0 : i32
    %dma_wait3A_537 = tpu.memref_slice %arg4[%add3A_529, %dma_wait3A_536] : memref<204800x128xf32, #tpu.memory_space<hbm>> -> memref<128x128xf32, #tpu.memory_space<hbm>>
    %dma_wait3A_538 = tpu.memref_slice %arg8[%dma_wait3A_531] : memref<5x!tpu.dma_semaphore, #tpu.memory_space<semaphore_mem>> -> memref<1x!tpu.dma_semaphore, #tpu.memory_space<semaphore_mem>>
    %dma_wait3A_539 = tpu.memref_squeeze %dma_wait3A_538 : memref<1x!tpu.dma_semaphore, #tpu.memory_space<semaphore_mem>> -> memref<!tpu.dma_semaphore, #tpu.memory_space<semaphore_mem>>
    %dma_wait3A_540 = arith.constant 0 : i32
    %dma_wait3A_541 = tpu.memref_slice %arg4[%add3A_529, %dma_wait3A_540] : memref<204800x128xf32, #tpu.memory_space<hbm>> -> memref<128x128xf32, #tpu.memory_space<hbm>>
    %dma_wait3A_542 = arith.constant 0 : i32
    %dma_wait3A_543 = arith.constant 0 : i32
    %dma_wait3A_544 = tpu.memref_slice %arg6[%dma_wait3A_530, %dma_wait3A_542, %dma_wait3A_543] : memref<5x128x128xf32, #tpu.memory_space<vmem>> -> memref<1x128x128xf32, #tpu.memory_space<vmem>>
    %dma_wait3A_545 = tpu.memref_squeeze %dma_wait3A_544 : memref<1x128x128xf32, #tpu.memory_space<vmem>> -> memref<128x128xf32, #tpu.memory_space<vmem>>
    tpu.wait_dma2 semaphore(%dma_wait3A_539 : memref<!tpu.dma_semaphore, #tpu.memory_space<semaphore_mem>>) src(%dma_wait3A_545 : memref<128x128xf32, #tpu.memory_space<vmem>>) dst(%dma_wait3A_541 : memref<128x128xf32, #tpu.memory_space<hbm>>)
    %dma_wait3A_546 = arith.constant 48 : i32
    %dma_wait3A_547 = arith.constant 3 : i32
    %dma_wait3A_548 = arith.constant 3 : i32
    %dma_wait3A_549 = arith.constant 0 : i32
    %dma_wait3A_550 = arith.constant 0 : i32
    %dma_wait3A_551 = tpu.memref_slice %arg6[%dma_wait3A_547, %dma_wait3A_549, %dma_wait3A_550] : memref<5x128x128xf32, #tpu.memory_space<vmem>> -> memref<1x128x128xf32, #tpu.memory_space<vmem>>
    %dma_wait3A_552 = tpu.memref_squeeze %dma_wait3A_551 : memref<1x128x128xf32, #tpu.memory_space<vmem>> -> memref<128x128xf32, #tpu.memory_space<vmem>>
    %dma_wait3A_553 = arith.constant 0 : i32
    %dma_wait3A_554 = tpu.memref_slice %arg5[%dma_wait3A_546, %dma_wait3A_553] : memref<50x128xi32, #tpu.memory_space<vmem>> -> memref<1x128xi32, #tpu.memory_space<vmem>>
    %dma_wait3A_555 = tpu.memref_squeeze %dma_wait3A_554 : memref<1x128xi32, #tpu.memory_space<vmem>> -> memref<128xi32, #tpu.memory_space<vmem>>
    %dma_wait3A_556 = arith.constant 0 : i32
    %dma_wait3A_557 = arith.constant 0 : i32
    %dma_wait3A_558 = tpu.memref_slice %arg3[%dma_wait3A_556, %dma_wait3A_557] : memref<100000x128xf32, #tpu.memory_space<hbm>> -> memref<100000x128xf32, #tpu.memory_space<hbm>>
    %dma_wait3A_559 = tpu.memref_slice %arg7[%dma_wait3A_548] : memref<5x!tpu.dma_semaphore, #tpu.memory_space<semaphore_mem>> -> memref<1x!tpu.dma_semaphore, #tpu.memory_space<semaphore_mem>>
    %dma_wait3A_560 = tpu.memref_squeeze %dma_wait3A_559 : memref<1x!tpu.dma_semaphore, #tpu.memory_space<semaphore_mem>> -> memref<!tpu.dma_semaphore, #tpu.memory_space<semaphore_mem>>
    tpu.wait_indirect_dma semaphore(%dma_wait3A_560 : memref<!tpu.dma_semaphore, #tpu.memory_space<semaphore_mem>>) src(%dma_wait3A_558 : memref<100000x128xf32, #tpu.memory_space<hbm>>) dst(%dma_wait3A_552 : memref<128x128xf32, #tpu.memory_space<vmem>>)
    %add3A_561 = arith.constant 6144 : i32
    %add3A_562 = arith.addi %mul3A_2, %add3A_561 : i32
    %dma_start3A_563 = arith.constant 3 : i32
    %dma_start3A_564 = arith.constant 3 : i32
    %dma_start3A_565 = arith.constant 0 : i32
    %dma_start3A_566 = arith.constant 0 : i32
    %dma_start3A_567 = tpu.memref_slice %arg6[%dma_start3A_563, %dma_start3A_565, %dma_start3A_566] : memref<5x128x128xf32, #tpu.memory_space<vmem>> -> memref<1x128x128xf32, #tpu.memory_space<vmem>>
    %dma_start3A_568 = tpu.memref_squeeze %dma_start3A_567 : memref<1x128x128xf32, #tpu.memory_space<vmem>> -> memref<128x128xf32, #tpu.memory_space<vmem>>
    %dma_start3A_569 = arith.constant 0 : i32
    %dma_start3A_570 = tpu.memref_slice %arg4[%add3A_562, %dma_start3A_569] : memref<204800x128xf32, #tpu.memory_space<hbm>> -> memref<128x128xf32, #tpu.memory_space<hbm>>
    %dma_start3A_571 = tpu.memref_slice %arg8[%dma_start3A_564] : memref<5x!tpu.dma_semaphore, #tpu.memory_space<semaphore_mem>> -> memref<1x!tpu.dma_semaphore, #tpu.memory_space<semaphore_mem>>
    %dma_start3A_572 = tpu.memref_squeeze %dma_start3A_571 : memref<1x!tpu.dma_semaphore, #tpu.memory_space<semaphore_mem>> -> memref<!tpu.dma_semaphore, #tpu.memory_space<semaphore_mem>>
    %dma_start3A_573 = arith.constant 0 : i32
    %dma_start3A_574 = tpu.memref_slice %arg4[%add3A_562, %dma_start3A_573] : memref<204800x128xf32, #tpu.memory_space<hbm>> -> memref<128x128xf32, #tpu.memory_space<hbm>>
    %dma_start3A_575 = arith.constant 0 : i32
    %dma_start3A_576 = arith.constant 0 : i32
    %dma_start3A_577 = tpu.memref_slice %arg6[%dma_start3A_563, %dma_start3A_575, %dma_start3A_576] : memref<5x128x128xf32, #tpu.memory_space<vmem>> -> memref<1x128x128xf32, #tpu.memory_space<vmem>>
    %dma_start3A_578 = tpu.memref_squeeze %dma_start3A_577 : memref<1x128x128xf32, #tpu.memory_space<vmem>> -> memref<128x128xf32, #tpu.memory_space<vmem>>
    tpu.enqueue_dma source(%dma_start3A_578 : memref<128x128xf32, #tpu.memory_space<vmem>>) target(%dma_start3A_574 : memref<128x128xf32, #tpu.memory_space<hbm>>) target_semaphore(%dma_start3A_572 : memref<!tpu.dma_semaphore, #tpu.memory_space<semaphore_mem>>)
    %add3A_579 = arith.constant 6016 : i32
    %add3A_580 = arith.addi %mul3A_2, %add3A_579 : i32
    %dma_wait3A_581 = arith.constant 2 : i32
    %dma_wait3A_582 = arith.constant 2 : i32
    %dma_wait3A_583 = arith.constant 0 : i32
    %dma_wait3A_584 = arith.constant 0 : i32
    %dma_wait3A_585 = tpu.memref_slice %arg6[%dma_wait3A_581, %dma_wait3A_583, %dma_wait3A_584] : memref<5x128x128xf32, #tpu.memory_space<vmem>> -> memref<1x128x128xf32, #tpu.memory_space<vmem>>
    %dma_wait3A_586 = tpu.memref_squeeze %dma_wait3A_585 : memref<1x128x128xf32, #tpu.memory_space<vmem>> -> memref<128x128xf32, #tpu.memory_space<vmem>>
    %dma_wait3A_587 = arith.constant 0 : i32
    %dma_wait3A_588 = tpu.memref_slice %arg4[%add3A_580, %dma_wait3A_587] : memref<204800x128xf32, #tpu.memory_space<hbm>> -> memref<128x128xf32, #tpu.memory_space<hbm>>
    %dma_wait3A_589 = tpu.memref_slice %arg8[%dma_wait3A_582] : memref<5x!tpu.dma_semaphore, #tpu.memory_space<semaphore_mem>> -> memref<1x!tpu.dma_semaphore, #tpu.memory_space<semaphore_mem>>
    %dma_wait3A_590 = tpu.memref_squeeze %dma_wait3A_589 : memref<1x!tpu.dma_semaphore, #tpu.memory_space<semaphore_mem>> -> memref<!tpu.dma_semaphore, #tpu.memory_space<semaphore_mem>>
    %dma_wait3A_591 = arith.constant 0 : i32
    %dma_wait3A_592 = tpu.memref_slice %arg4[%add3A_580, %dma_wait3A_591] : memref<204800x128xf32, #tpu.memory_space<hbm>> -> memref<128x128xf32, #tpu.memory_space<hbm>>
    %dma_wait3A_593 = arith.constant 0 : i32
    %dma_wait3A_594 = arith.constant 0 : i32
    %dma_wait3A_595 = tpu.memref_slice %arg6[%dma_wait3A_581, %dma_wait3A_593, %dma_wait3A_594] : memref<5x128x128xf32, #tpu.memory_space<vmem>> -> memref<1x128x128xf32, #tpu.memory_space<vmem>>
    %dma_wait3A_596 = tpu.memref_squeeze %dma_wait3A_595 : memref<1x128x128xf32, #tpu.memory_space<vmem>> -> memref<128x128xf32, #tpu.memory_space<vmem>>
    tpu.wait_dma2 semaphore(%dma_wait3A_590 : memref<!tpu.dma_semaphore, #tpu.memory_space<semaphore_mem>>) src(%dma_wait3A_596 : memref<128x128xf32, #tpu.memory_space<vmem>>) dst(%dma_wait3A_592 : memref<128x128xf32, #tpu.memory_space<hbm>>)
    %dma_wait3A_597 = arith.constant 49 : i32
    %dma_wait3A_598 = arith.constant 4 : i32
    %dma_wait3A_599 = arith.constant 4 : i32
    %dma_wait3A_600 = arith.constant 0 : i32
    %dma_wait3A_601 = arith.constant 0 : i32
    %dma_wait3A_602 = tpu.memref_slice %arg6[%dma_wait3A_598, %dma_wait3A_600, %dma_wait3A_601] : memref<5x128x128xf32, #tpu.memory_space<vmem>> -> memref<1x128x128xf32, #tpu.memory_space<vmem>>
    %dma_wait3A_603 = tpu.memref_squeeze %dma_wait3A_602 : memref<1x128x128xf32, #tpu.memory_space<vmem>> -> memref<128x128xf32, #tpu.memory_space<vmem>>
    %dma_wait3A_604 = arith.constant 0 : i32
    %dma_wait3A_605 = tpu.memref_slice %arg5[%dma_wait3A_597, %dma_wait3A_604] : memref<50x128xi32, #tpu.memory_space<vmem>> -> memref<1x128xi32, #tpu.memory_space<vmem>>
    %dma_wait3A_606 = tpu.memref_squeeze %dma_wait3A_605 : memref<1x128xi32, #tpu.memory_space<vmem>> -> memref<128xi32, #tpu.memory_space<vmem>>
    %dma_wait3A_607 = arith.constant 0 : i32
    %dma_wait3A_608 = arith.constant 0 : i32
    %dma_wait3A_609 = tpu.memref_slice %arg3[%dma_wait3A_607, %dma_wait3A_608] : memref<100000x128xf32, #tpu.memory_space<hbm>> -> memref<100000x128xf32, #tpu.memory_space<hbm>>
    %dma_wait3A_610 = tpu.memref_slice %arg7[%dma_wait3A_599] : memref<5x!tpu.dma_semaphore, #tpu.memory_space<semaphore_mem>> -> memref<1x!tpu.dma_semaphore, #tpu.memory_space<semaphore_mem>>
    %dma_wait3A_611 = tpu.memref_squeeze %dma_wait3A_610 : memref<1x!tpu.dma_semaphore, #tpu.memory_space<semaphore_mem>> -> memref<!tpu.dma_semaphore, #tpu.memory_space<semaphore_mem>>
    tpu.wait_indirect_dma semaphore(%dma_wait3A_611 : memref<!tpu.dma_semaphore, #tpu.memory_space<semaphore_mem>>) src(%dma_wait3A_609 : memref<100000x128xf32, #tpu.memory_space<hbm>>) dst(%dma_wait3A_603 : memref<128x128xf32, #tpu.memory_space<vmem>>)
    %add3A_612 = arith.constant 6272 : i32
    %add3A_613 = arith.addi %mul3A_2, %add3A_612 : i32
    %dma_start3A_614 = arith.constant 4 : i32
    %dma_start3A_615 = arith.constant 4 : i32
    %dma_start3A_616 = arith.constant 0 : i32
    %dma_start3A_617 = arith.constant 0 : i32
    %dma_start3A_618 = tpu.memref_slice %arg6[%dma_start3A_614, %dma_start3A_616, %dma_start3A_617] : memref<5x128x128xf32, #tpu.memory_space<vmem>> -> memref<1x128x128xf32, #tpu.memory_space<vmem>>
    %dma_start3A_619 = tpu.memref_squeeze %dma_start3A_618 : memref<1x128x128xf32, #tpu.memory_space<vmem>> -> memref<128x128xf32, #tpu.memory_space<vmem>>
    %dma_start3A_620 = arith.constant 0 : i32
    %dma_start3A_621 = tpu.memref_slice %arg4[%add3A_613, %dma_start3A_620] : memref<204800x128xf32, #tpu.memory_space<hbm>> -> memref<128x128xf32, #tpu.memory_space<hbm>>
    %dma_start3A_622 = tpu.memref_slice %arg8[%dma_start3A_615] : memref<5x!tpu.dma_semaphore, #tpu.memory_space<semaphore_mem>> -> memref<1x!tpu.dma_semaphore, #tpu.memory_space<semaphore_mem>>
    %dma_start3A_623 = tpu.memref_squeeze %dma_start3A_622 : memref<1x!tpu.dma_semaphore, #tpu.memory_space<semaphore_mem>> -> memref<!tpu.dma_semaphore, #tpu.memory_space<semaphore_mem>>
    %dma_start3A_624 = arith.constant 0 : i32
    %dma_start3A_625 = tpu.memref_slice %arg4[%add3A_613, %dma_start3A_624] : memref<204800x128xf32, #tpu.memory_space<hbm>> -> memref<128x128xf32, #tpu.memory_space<hbm>>
    %dma_start3A_626 = arith.constant 0 : i32
    %dma_start3A_627 = arith.constant 0 : i32
    %dma_start3A_628 = tpu.memref_slice %arg6[%dma_start3A_614, %dma_start3A_626, %dma_start3A_627] : memref<5x128x128xf32, #tpu.memory_space<vmem>> -> memref<1x128x128xf32, #tpu.memory_space<vmem>>
    %dma_start3A_629 = tpu.memref_squeeze %dma_start3A_628 : memref<1x128x128xf32, #tpu.memory_space<vmem>> -> memref<128x128xf32, #tpu.memory_space<vmem>>
    tpu.enqueue_dma source(%dma_start3A_629 : memref<128x128xf32, #tpu.memory_space<vmem>>) target(%dma_start3A_625 : memref<128x128xf32, #tpu.memory_space<hbm>>) target_semaphore(%dma_start3A_623 : memref<!tpu.dma_semaphore, #tpu.memory_space<semaphore_mem>>)
    %add3A_630 = arith.constant 6144 : i32
    %add3A_631 = arith.addi %mul3A_2, %add3A_630 : i32
    %dma_wait3A_632 = arith.constant 3 : i32
    %dma_wait3A_633 = arith.constant 3 : i32
    %dma_wait3A_634 = arith.constant 0 : i32
    %dma_wait3A_635 = arith.constant 0 : i32
    %dma_wait3A_636 = tpu.memref_slice %arg6[%dma_wait3A_632, %dma_wait3A_634, %dma_wait3A_635] : memref<5x128x128xf32, #tpu.memory_space<vmem>> -> memref<1x128x128xf32, #tpu.memory_space<vmem>>
    %dma_wait3A_637 = tpu.memref_squeeze %dma_wait3A_636 : memref<1x128x128xf32, #tpu.memory_space<vmem>> -> memref<128x128xf32, #tpu.memory_space<vmem>>
    %dma_wait3A_638 = arith.constant 0 : i32
    %dma_wait3A_639 = tpu.memref_slice %arg4[%add3A_631, %dma_wait3A_638] : memref<204800x128xf32, #tpu.memory_space<hbm>> -> memref<128x128xf32, #tpu.memory_space<hbm>>
    %dma_wait3A_640 = tpu.memref_slice %arg8[%dma_wait3A_633] : memref<5x!tpu.dma_semaphore, #tpu.memory_space<semaphore_mem>> -> memref<1x!tpu.dma_semaphore, #tpu.memory_space<semaphore_mem>>
    %dma_wait3A_641 = tpu.memref_squeeze %dma_wait3A_640 : memref<1x!tpu.dma_semaphore, #tpu.memory_space<semaphore_mem>> -> memref<!tpu.dma_semaphore, #tpu.memory_space<semaphore_mem>>
    %dma_wait3A_642 = arith.constant 0 : i32
    %dma_wait3A_643 = tpu.memref_slice %arg4[%add3A_631, %dma_wait3A_642] : memref<204800x128xf32, #tpu.memory_space<hbm>> -> memref<128x128xf32, #tpu.memory_space<hbm>>
    %dma_wait3A_644 = arith.constant 0 : i32
    %dma_wait3A_645 = arith.constant 0 : i32
    %dma_wait3A_646 = tpu.memref_slice %arg6[%dma_wait3A_632, %dma_wait3A_644, %dma_wait3A_645] : memref<5x128x128xf32, #tpu.memory_space<vmem>> -> memref<1x128x128xf32, #tpu.memory_space<vmem>>
    %dma_wait3A_647 = tpu.memref_squeeze %dma_wait3A_646 : memref<1x128x128xf32, #tpu.memory_space<vmem>> -> memref<128x128xf32, #tpu.memory_space<vmem>>
    tpu.wait_dma2 semaphore(%dma_wait3A_641 : memref<!tpu.dma_semaphore, #tpu.memory_space<semaphore_mem>>) src(%dma_wait3A_647 : memref<128x128xf32, #tpu.memory_space<vmem>>) dst(%dma_wait3A_643 : memref<128x128xf32, #tpu.memory_space<hbm>>)
    %add3A_648 = arith.constant 6272 : i32
    %add3A_649 = arith.addi %mul3A_2, %add3A_648 : i32
    %dma_wait3A_650 = arith.constant 4 : i32
    %dma_wait3A_651 = arith.constant 4 : i32
    %dma_wait3A_652 = arith.constant 0 : i32
    %dma_wait3A_653 = arith.constant 0 : i32
    %dma_wait3A_654 = tpu.memref_slice %arg6[%dma_wait3A_650, %dma_wait3A_652, %dma_wait3A_653] : memref<5x128x128xf32, #tpu.memory_space<vmem>> -> memref<1x128x128xf32, #tpu.memory_space<vmem>>
    %dma_wait3A_655 = tpu.memref_squeeze %dma_wait3A_654 : memref<1x128x128xf32, #tpu.memory_space<vmem>> -> memref<128x128xf32, #tpu.memory_space<vmem>>
    %dma_wait3A_656 = arith.constant 0 : i32
    %dma_wait3A_657 = tpu.memref_slice %arg4[%add3A_649, %dma_wait3A_656] : memref<204800x128xf32, #tpu.memory_space<hbm>> -> memref<128x128xf32, #tpu.memory_space<hbm>>
    %dma_wait3A_658 = tpu.memref_slice %arg8[%dma_wait3A_651] : memref<5x!tpu.dma_semaphore, #tpu.memory_space<semaphore_mem>> -> memref<1x!tpu.dma_semaphore, #tpu.memory_space<semaphore_mem>>
    %dma_wait3A_659 = tpu.memref_squeeze %dma_wait3A_658 : memref<1x!tpu.dma_semaphore, #tpu.memory_space<semaphore_mem>> -> memref<!tpu.dma_semaphore, #tpu.memory_space<semaphore_mem>>
    %dma_wait3A_660 = arith.constant 0 : i32
    %dma_wait3A_661 = tpu.memref_slice %arg4[%add3A_649, %dma_wait3A_660] : memref<204800x128xf32, #tpu.memory_space<hbm>> -> memref<128x128xf32, #tpu.memory_space<hbm>>
    %dma_wait3A_662 = arith.constant 0 : i32
    %dma_wait3A_663 = arith.constant 0 : i32
    %dma_wait3A_664 = tpu.memref_slice %arg6[%dma_wait3A_650, %dma_wait3A_662, %dma_wait3A_663] : memref<5x128x128xf32, #tpu.memory_space<vmem>> -> memref<1x128x128xf32, #tpu.memory_space<vmem>>
    %dma_wait3A_665 = tpu.memref_squeeze %dma_wait3A_664 : memref<1x128x128xf32, #tpu.memory_space<vmem>> -> memref<128x128xf32, #tpu.memory_space<vmem>>
    tpu.wait_dma2 semaphore(%dma_wait3A_659 : memref<!tpu.dma_semaphore, #tpu.memory_space<semaphore_mem>>) src(%dma_wait3A_665 : memref<128x128xf32, #tpu.memory_space<vmem>>) dst(%dma_wait3A_661 : memref<128x128xf32, #tpu.memory_space<hbm>>)
    return
  }
}

</mosaic_0001>

<sc_bundles>
// kernel: kernel.3.cloned.1.call-start
scs
__scs_entry_jumppad:
0x0: {  	(pc) =	sbr.rel $0x88, $3  }
0x1: {  	(tag) =	ssettag $0x0;
	lr =	simm.s32 $0x1  }
0x2: {  	[smem:$0x3F9F] =	sst lr;
	_ =	strace $0xD0000000  }
0x3: {  	_ = 	snop  }
0x4: {  	_ = 	snop  }
0x5: {  	_ = 	snop  }
0x6: {  	_ = 	snop  }
0x7: {  	_ = 	snop  }
__scs_overlays_trampoline_lowered:
0x8: {  	[smem:$0x3FAE] =	sst s0  }
0x9: {  	[smem:$0x3FAF] =	sst s1  }
0xa: {  	[smem:$0x3FB0] =	sst s2  }
0xb: {  	[smem:$0x3FB1] =	sst s3  }
0xc: {  	[smem:$0x3FB2] =	sst s4  }
0xd: {  	[smem:$0x3FB3] =	sst s5  }
0xe: {  	[smem:$0x3FB4] =	sst s6  }
0xf: {  	[smem:$0x3FB5] =	sst s7  }
0x10: {  	[smem:$0x3FB6] =	sst s8  }
0x11: {  	[smem:$0x3FB7] =	sst s9;
	s0 =	simm.s32 @!p0 $0x0  }
0x12: {  	s1 =	sld [smem:$0x3F9D];
	s0 =	simm.s32 @p0 $0x1  }
0x13: {  	[smem:$0x3FB8] =	sst s0;
	s0 =	simm.s32 @!p1 $0x0  }
0x14: {  	s2 =	sld [smem:$0x3F9C];
	s0 =	simm.s32 @p1 $0x1  }
0x15: {  	[smem:$0x3FB9] =	sst s0;
	s0 =	simm.s32 @!p2 $0x0  }
0x16: {  	s3 =	sld [smem:$0x3FDB];
	s0 =	simm.s32 @p2 $0x1  }
0x17: {  	s4 =	simm.s32 $0x1BF5;
	[smem:$0x3FBB] =	sst s0  }
0x18: {  	s0 =	sld [smem:$0x3F9E];
	_ =	swait.ge [sflag:s4], $0x0  }
0x19: {  	s7 =	sld [smem:$0x3F9F]  }
0x1a: {  	s8 =	sadd.s32 $0xFFFFE003, lr  }
0x1b: {  	s9 =	sadd.s32 $0xFFFFFEF7, lr;
	s5 =	simm.s32 $0xFFFFFFFF;
	p2 =	slt.u32 s8, $0xFFFFF086  }
0x1c: {  	p1 =	slt.u32 s9, $0xF7A;
	s5 =	simm.s32 @!p2 $0x0  }
0x1d: {  	s5 =	simm.s32 @p1 $0x1;
	p0 =	seq.s32 s7, s2  }
0x1e: {  	s7 =	smul.u32 @!p0 $0xF7A, s2;
	p2 =	seq.s32 @!p0 s5, $0x0  }
0x1f: {  	s9 =	smul.u32 $0xF7A, s1;
	s8 =	simm.s32 @!p0 $0x1BF5;
	p2 =	por !p2, p0  }
0x20: {  	[sflag:s8] =	ssyncset.s32 @!p0 $0xFFFFF086;
	s6 =	sadd.s32 @!p0 s3, s7;
	s7 =	simm.s32 @!p0 $0x108  }
0x21: {  	s3 =	sadd.s32 s3, s9;
	s6 =	sadd.s32 @!p0 $0x88, s6;
	s7 =	simm.s32 @p2 $0x1082  }
0x22: {  	[simem:s7], [sflag:s8] =	dma.local @!p0 [hbm:s6], $0xF7A  }
0x23: {  	s9 =	sor.u32 $0xD0000000, s2;
	s6 =	simm.s32 $0x108;
	_ =	swait.ge @!p0 [sflag:s8], $0x0  }
0x24: {  	s3 =	sadd.s32 $0x88, s3;
	s6 =	simm.s32 @!p1 $0x1082;
	[sflag:s4] =	ssyncset.s32 $0xFFFFF086  }
0x25: {  	[simem:s6], [sflag:s4] =	dma.local [hbm:s3], $0xF7A  }
0x26: {  	[smem:$0x3F9F] =	sst s1;
	(tag) =	ssettag s2;
	_ =	strace s9  }
0x27: {  	s1 =	sld [smem:$0x3FAF]  }
0x28: {  	s2 =	sld [smem:$0x3FB0]  }
0x29: {  	s4 =	sld [smem:$0x3FB2]  }
0x2a: {  	p0 =	seq.s32 s5, $0x0;
	s5 =	sld [smem:$0x3FB3]  }
0x2b: {  	s6 =	sld [smem:$0x3FB4]  }
0x2c: {  	s7 =	sld [smem:$0x3FB5]  }
0x2d: {  	s3 =	simm.s32 $0x108;
	s8 =	sld [smem:$0x3FB6]  }
0x2e: {  	s3 =	simm.s32 @!p0 $0x1082;
	s9 =	sld [smem:$0x3FB7]  }
0x2f: {  	lr =	sadd.s32 s0, s3;
	s0 =	sld [smem:$0x3FAE]  }
0x30: {  	s3 =	sld [smem:$0x3FB1]  }
0x31: {  	[smem:$0x3FBA] =	sst s10  }
0x32: {  	s10 =	sld [smem:$0x3FB8];
	_ =	sdelay $0x3  }
0x33: {  	p0 =	seq.s32 s10, $0x1;
	s10 =	sld [smem:$0x3FBA];
	_ =	sdelay $0x3  }
0x34: {  	[smem:$0x3FBA] =	sst s10  }
0x35: {  	s10 =	sld [smem:$0x3FB9];
	_ =	sdelay $0x3  }
0x36: {  	p1 =	seq.s32 s10, $0x1;
	s10 =	sld [smem:$0x3FBA];
	_ =	sdelay $0x3  }
0x37: {  	[smem:$0x3FBA] =	sst s10  }
0x38: {  	s10 =	sld [smem:$0x3FBB]  }
0x39: {  	_ = 	snop;
	(pc) =	sbr.ind lr, $3  }
0x3a: {  	_ = 	snop  }
0x3b: {  	_ = 	snop  }
0x3c: {  	p2 =	seq.s32 s10, $0x1;
	s10 =	sld [smem:$0x3FBA]  }
0x3d: {  	_ =	shalt  }
0x3e: {  	_ =	shalt  }
0x3f: {  	_ =	shalt  }
0x40: {  	_ =	shalt  }
0x41: {  	_ =	shalt  }
0x42: {  	_ =	shalt  }
0x43: {  	_ =	shalt  }
0x44: {  	_ =	shalt  }
0x45: {  	_ =	shalt  }
0x46: {  	_ =	shalt  }
0x47: {  	_ =	shalt  }
0x48: {  	_ =	shalt  }
0x49: {  	_ =	shalt  }
0x4a: {  	_ =	shalt  }
0x4b: {  	_ =	shalt  }
0x4c: {  	_ =	shalt  }
0x4d: {  	_ =	shalt  }
0x4e: {  	_ =	shalt  }
0x4f: {  	_ =	shalt  }
0x50: {  	_ =	shalt  }
0x51: {  	_ =	shalt  }
0x52: {  	_ =	shalt  }
0x53: {  	_ =	shalt  }
0x54: {  	_ =	shalt  }
0x55: {  	_ =	shalt  }
0x56: {  	_ =	shalt  }
0x57: {  	_ =	shalt  }
0x58: {  	_ =	shalt  }
0x59: {  	_ =	shalt  }
0x5a: {  	_ =	shalt  }
0x5b: {  	_ =	shalt  }
0x5c: {  	_ =	shalt  }
0x5d: {  	_ =	shalt  }
0x5e: {  	_ =	shalt  }
0x5f: {  	_ =	shalt  }
0x60: {  	_ =	shalt  }
0x61: {  	_ =	shalt  }
0x62: {  	_ =	shalt  }
0x63: {  	_ =	shalt  }
0x64: {  	_ =	shalt  }
0x65: {  	_ =	shalt  }
0x66: {  	_ =	shalt  }
0x67: {  	_ =	shalt  }
0x68: {  	_ =	shalt  }
0x69: {  	_ =	shalt  }
0x6a: {  	_ =	shalt  }
0x6b: {  	_ =	shalt  }
0x6c: {  	_ =	shalt  }
0x6d: {  	_ =	shalt  }
0x6e: {  	_ =	shalt  }
0x6f: {  	_ =	shalt  }
0x70: {  	_ =	shalt  }
0x71: {  	_ =	shalt  }
0x72: {  	_ =	shalt  }
0x73: {  	_ =	shalt  }
0x74: {  	_ =	shalt  }
0x75: {  	_ =	shalt  }
0x76: {  	_ =	shalt  }
0x77: {  	_ =	shalt  }
0x78: {  	_ =	shalt  }
0x79: {  	_ =	shalt  }
0x7a: {  	_ =	shalt  }
0x7b: {  	_ =	shalt  }
0x7c: {  	_ =	shalt  }
0x7d: {  	_ =	shalt  }
0x7e: {  	_ =	shalt  }
0x7f: {  	_ =	shalt  }
0x80: {  	_ =	shalt  }
0x81: {  	_ =	shalt  }
0x82: {  	_ =	shalt  }
0x83: {  	_ =	shalt  }
0x84: {  	_ =	shalt  }
0x85: {  	_ =	shalt  }
0x86: {  	_ =	shalt  }
0x87: {  	_ =	shalt  }
.Lfunc_end0:
.L_simem_size_0:
called_computation.1_lowered:
.L_overlay_start_0:
0x88: {  	s2 =	sld [smem:$0x3FD9]  }
0x89: {  	s3 =	sld [smem:$0x3FFE];
	_ =	sdelay $0x1  }
0x8a: {  	s1 =	srdreg.scid  }
0x8b: {  	s0 =	sand.u32 $0x1, s1  }
0x8c: {  	s17 =	sshll.u32 s0, $0xA;
	s2 =	sadd.s32 s3, s2  }
0x8d: {  	s2 =	sadd.s32 s2, s17  }
0x8e: {  	[smem:$0x3FC6] =	sst s2  }
0x8f: {  	_ = 	snop  }
0x90: {  	s2 =	sld [smem:$0x3FC8]  }
0x91: {  	s18 =	sld [smem:$0x3FD0];
	(tm) =	ssettm $0x1  }
0x92: {  	s4 =	sld [smem:$0x3FFB];
	_ =	sdelay $0x3  }
0x93: {  	_ =	strace s4  }
0x94: {  	s4 =	sld [smem:$0x3FFC];
	_ =	sdelay $0x3  }
0x95: {  	_ =	strace s4  }
0x96: {  	s4 =	sld [smem:$0x3FFD];
	_ =	sdelay $0x3  }
0x97: {  	_ =	strace s4  }
0x98: {  	_ =	strace $0x8FFFFFFF  }
0x99: {  	s19 =	sld [smem:$0x3FDB];
	_ =	sdelay $0x1  }
0x9a: {  	s5 =	simm.s32 $_scs_section_size  }
0x9b: {  	s6 =	simm.s32 $_size__tile_overlayer_lowered;
	s7 =	simm.s32 $_tile_overlayer_lowered  }
0x9c: {  	s22 =	simm.s32 $0x1BFF;
	s21 =	sshll.u32 s7, $0x1;
	s4 =	sadd.s32 s5, s19  }
0x9d: {  	s8 =	simm.s32 $0x0;
	s20 =	sshll.u32 s6, $0x1;
	s6 =	sadd.s32 s21, s4  }
0x9e: {  	[timem:s8], [sflag:s22] =	dma.local [hbm:s6], s20  }
0x9f: {  	_ =	swait.ge [sflag:s22], s20  }
0xa0: {  	s5 =	ssub.s32 $0x0, s20;
	[sflag:s22] =	ssyncset.done $0x0  }
0xa1: {  	[sflag:s22] =	ssyncadd.s32 s5;
	_ =	sdelay $0x1  }
0xa2: {  	s23 =	simm.s32 $0x1B8B  }
0xa3: {  	_ =	swait.ge [sflag:s23], $0x1  }
0xa4: {  	[sflag:s23] =	ssyncset.done $0x0  }
0xa5: {  	s25 =	simm.s32 $0x1B8E;
	s24 =	sld [smem:$0x3FFE];
	[sflag:s23] =	ssyncadd.s32 $0xFFFFFFFF  }
0xa6: {  	s26 =	simm.s32 $execute0_lowered;
	[smem:$0x3FD2] =	sst s25  }
0xa7: {  	s6 =	sshll.u32 s26, $0x1;
	_ =	strace $0x80000046;
	[dreg:$0x1] =	wrdreg $0xFFFFFFFF  }
0xa8: {  	s28 =	simm.s32 $_size_execute0_lowered;
	s4 =	sadd.s32 s4, s6;
	[dreg:$0x0] =	wrdreg $0x0  }
0xa9: {  	s6 =	sshll.u32 s28, $0x1;
	[dreg:$0x2] =	wrdreg s4  }
0xaa: {  	[dreg:$0x3] =	wrdreg s6  }
0xab: {  	[dreg:$0x4] =	wrdreg $0xC0  }
0xac: {  	_ =	task [dreg:s8], $0x5FFFF  }
0xad: {  	[dreg:$0x1] =	wrdreg $0xFFFFFFFF  }
0xae: {  	[dreg:$0x0] =	wrdreg $0x60  }
0xaf: {  	[dreg:$0x2] =	wrdreg s24  }
0xb0: {  	[dreg:$0x3] =	wrdreg s2  }
0xb1: {  	[dreg:$0x4] =	wrdreg s18  }
0xb2: {  	[dreg:$0x5] =	wrdreg $0x9  }
0xb3: {  	_ =	task.clear_ibuf [dreg:s8], $0x6FFFF;
	_ =	strace $0x90000046  }
0xb4: {  	s29 =	simm.s32 $0x9;
	_ =	strace $0x80000048  }
0xb5: {  	_ =	swait.ge [sflag:s29], $0x1  }
0xb6: {  	[sflag:s29] =	ssyncadd.s32 $0xFFFFFFFF  }
0xb7: {  	_ =	strace $0x90000048  }
0xb8: {  	_ =	sfence  }
0xb9: {  	s30 =	sld [smem:$0x0];
	_ =	sdelay $0x2  }
0xba: {  	s31 =	sshll.u32 s1, $0xD;
	s1 =	sshrl.u32 s1, $0x2  }
0xbb: {  	s3 =	sand.u32 $0x4000, s31;
	s1 =	sadd.s32 s1, s30  }
0xbc: {  	s0 =	sor.u32 s3, s0;
	s1 =	sshll.u32 s1, $0x11  }
0xbd: {  	s0 =	sor.u32 s1, s0  }
0xbe: {  	s0 =	sadd.s32 $0x8F2B, s0  }
0xbf: {  	[sflag:s0] =	ssyncadd.remote.s32 $0x1  }
0xc0: {  	_ =	sfence.sel $0xFFFF  }
0xc1: {  	[dreg:$0x0] =	wrdreg $0xFFFFFFFF;
	(pc) =	sbr.abs _section_cstart, $3  }
0xc2: {  	[dreg:$0x1] =	wrdreg $0xFFFFFFFF  }
0xc3: {  	_ =	task.clear_ibuf [dreg:s8], $0x2FFFF;
	_ =	strace $0x9FFFFFFF  }
0xc4: {  	(tm) =	ssettm $0x7FFFFFFF  }
0xc5: {  	_ =	shalt  }
tec
execute0_lowered:
.L_overlay_start_1:
0x0: {  	(tag) =	ssettag $0x1  }
0x1: {  	s0 =	rddreg [dreg:$0x0]  }
0x2: {  	s1 =	srdreg.scid;
	s2 =	rddreg [dreg:$0x1]  }
0x3: {  	s9 =	stileid.u32;
	s5 =	rddreg [dreg:$0x2]  }
0x4: {  	s17 =	simm.s32 $0xB;
	s18 =	simm.s32 $0x80;
	s28 =	simm.s32 $0x11C00  }
0x5: {  	s1 =	sand.u32 $0x1, s1;
	s3 =	sshll.u32 s9, $0x1;
	s24 =	smul.u32 $0x32000, s9  }
0x6: {  	s4 =	sor.u32 s1, s3;
	s8 =	ssub.s32 $0x2, s1;
	s1 =	smul.u32 $0x19000, s1  }
0x7: {  	s29 =	simm.s32 $0x2;
	s30 =	simm.s32 $0x6;
	s6 =	smul.u32 $0x380, s4  }
0x8: {  	s31 =	simm.s32 $0x9;
	s3 =	simm.s32 $0x0;
	s7 =	smul.u32 $0xC8000, s4  }
0x9: {  	[smem:$0x7FF] =	sst s3;
	s4 =	smul.u32 $0x19000, s4;
	s19 =	sshrl.u32 s8, $0x1  }
0xa: {  	_ =	strace $0x80000047;
	s0 =	sadd.s32 s6, s0;
	s7 =	sshrl.u32 s7, $0x3  }
0xb: {  	s6 =	ssub.s32 s8, s19;
	s4 =	sadd.s32 s5, s4;
	s19 =	simm.s32 $0x1C00  }
0xc: {  	s7 =	sadd.s32 s5, s7;
	s0 =	sadd.s32 $0x800, s0;
	s20 =	sadd.s32 $0x800, s4  }
0xd: {  	s15 =	smax.u32 s6, $0x1;
	s6 =	simm.s32 $0x0;
	[dreg:$0x4] =	wrdreg s0  }
0xe: {  	[dreg:$0x5] =	wrdreg s20;
	s21 =	sadd.s32 $0x1000, s7;
	s22 =	sadd.s32 $0x1800, s7  }
0xf: {  	s23 =	sadd.s32 $0x2000, s7;
	s25 =	sadd.s32 $0x16800, s7;
	[dreg:$0x6] =	wrdreg s21  }
0x10: {  	s26 =	sadd.s32 $0x17000, s7;
	s12 =	sadd.s32 $0x17800, s7;
	[dreg:$0x7] =	wrdreg s22  }
0x11: {  	s13 =	sadd.s32 $0x18000, s7;
	s0 =	sadd.s32 s24, s5;
	[dreg:$0x8] =	wrdreg s23  }
0x12: {  	s14 =	sadd.s32 $0x18800, s7;
	s20 =	simm.s32 $0x5C00;
	[dreg:$0x9] =	wrdreg s25  }
0x13: {  	s24 =	simm.s32 $0xDC00;
	s5 =	simm.s32 $0xA;
	[dreg:$0xa] =	wrdreg s26  }
0x14: {  	s0 =	sadd.s32 s1, s0;
	s22 =	simm.s32 $0x9C00;
	s25 =	simm.s32 $0x1  }
0x15: {  	s1 =	simm.s32 $0x3;
	s23 =	simm.s32 $0x4;
	s26 =	simm.s32 $0x8  }
0x16: {  	s21 =	simm.s32 $0x5;
	s9 =	sadd.s32 $0x4800, s0;
	s0 =	simm.s32 $0x7  }
.LBB2_1:
0x17: {  	s7 =	rddreg [dreg:$0x4]  }
0x18: {  	[tilespmem:s3], [sflag:$0xB] =	stream.linear.gather [hbm4b:s7+s3], $0x1900, $0x38;
	[tilespmem:$0x15C00] =	vst v63  }
0x19: {  	_ =	swait.ge [sflag:s17], $0x1900  }
0x1a: {  	[sflag:s17] =	ssyncset.done $0x0  }
0x1b: {  	[sflag:s17] =	ssyncadd.s32 $0xFFFFE700  }
0x1c: {  	[tilespmem:s19], [sflag:$0x1] =	stream.indirect.gather [hbm4b:s2+s18], $0x80, s3, s18, $0xb8;
	[tilespmem:$0x15C00] =	vst v63  }
0x1d: {  	_ = 	snop  }
0x1e: {  	[tilespmem:s20], [sflag:$0x2] =	stream.indirect.gather [hbm4b:s2+s18], $0x80, s18, s18, $0xb8;
	[tilespmem:$0x15C00] =	vst v63  }
0x1f: {  	s10 =	simm.s32 $0x100  }
0x20: {  	[tilespmem:s22], [sflag:$0x3] =	stream.indirect.gather [hbm4b:s2+s18], $0x80, s10, s18, $0xb8;
	[tilespmem:$0x15C00] =	vst v63  }
0x21: {  	s11 =	simm.s32 $0x180  }
0x22: {  	[tilespmem:s24], [sflag:$0x4] =	stream.indirect.gather [hbm4b:s2+s18], $0x80, s11, s18, $0xb8;
	[tilespmem:$0x15C00] =	vst v63  }
0x23: {  	_ =	swait.ge [sflag:s25], $0x4000  }
0x24: {  	[sflag:s25] =	ssyncset.done $0x0  }
0x25: {  	[sflag:s25] =	ssyncadd.s32 $0xFFFFC000  }
0x26: {  	[hbm4b:s4+s3] =	stream.linear.scatter [tilespmem:s19], [sflag:$0x6], $0x4000, $0x38;
	[tilespmem:$0x15C00] =	vst v63  }
0x27: {  	s16 =	simm.s32 $0x200  }
0x28: {  	[tilespmem:s28], [sflag:$0x5] =	stream.indirect.gather [hbm4b:s2+s18], $0x80, s16, s18, $0xb8;
	[tilespmem:$0x15C00] =	vst v63  }
0x29: {  	_ =	swait.ge [sflag:s29], $0x4000  }
0x2a: {  	[sflag:s29] =	ssyncset.done $0x0  }
0x2b: {  	s8 =	rddreg [dreg:$0x5];
	[sflag:s29] =	ssyncadd.s32 $0xFFFFC000  }
0x2c: {  	[hbm4b:s8+s3] =	stream.linear.scatter [tilespmem:s20], [sflag:$0x7], $0x4000, $0x38;
	[tilespmem:$0x15C00] =	vst v63  }
0x2d: {  	_ =	swait.ge [sflag:s30], $0x4000  }
0x2e: {  	[sflag:s30] =	ssyncset.done $0x0  }
0x2f: {  	s10 =	simm.s32 $0x280;
	[sflag:s30] =	ssyncadd.s32 $0xFFFFC000  }
0x30: {  	[tilespmem:s19], [sflag:$0x1] =	stream.indirect.gather [hbm4b:s2+s18], $0x80, s10, s18, $0xb8;
	[tilespmem:$0x15C00] =	vst v63  }
0x31: {  	_ =	swait.ge [sflag:s1], $0x4000  }
0x32: {  	[sflag:s1] =	ssyncset.done $0x0  }
0x33: {  	s11 =	rddreg [dreg:$0x6];
	[sflag:s1] =	ssyncadd.s32 $0xFFFFC000  }
0x34: {  	[hbm4b:s11+s3] =	stream.linear.scatter [tilespmem:s22], [sflag:$0x8], $0x4000, $0x38;
	[tilespmem:$0x15C00] =	vst v63  }
0x35: {  	_ =	swait.ge [sflag:s0], $0x4000  }
0x36: {  	[sflag:s0] =	ssyncset.done $0x0  }
0x37: {  	s16 =	simm.s32 $0x300;
	[sflag:s0] =	ssyncadd.s32 $0xFFFFC000  }
0x38: {  	[tilespmem:s20], [sflag:$0x2] =	stream.indirect.gather [hbm4b:s2+s18], $0x80, s16, s18, $0xb8;
	[tilespmem:$0x15C00] =	vst v63  }
0x39: {  	_ =	swait.ge [sflag:s23], $0x4000  }
0x3a: {  	[sflag:s23] =	ssyncset.done $0x0  }
0x3b: {  	s8 =	rddreg [dreg:$0x7];
	[sflag:s23] =	ssyncadd.s32 $0xFFFFC000  }
0x3c: {  	[hbm4b:s8+s3] =	stream.linear.scatter [tilespmem:s24], [sflag:$0x9], $0x4000, $0x38;
	[tilespmem:$0x15C00] =	vst v63  }
0x3d: {  	_ =	swait.ge [sflag:s26], $0x4000  }
0x3e: {  	[sflag:s26] =	ssyncset.done $0x0  }
0x3f: {  	s10 =	simm.s32 $0x380;
	[sflag:s26] =	ssyncadd.s32 $0xFFFFC000  }
0x40: {  	[tilespmem:s22], [sflag:$0x3] =	stream.indirect.gather [hbm4b:s2+s18], $0x80, s10, s18, $0xb8;
	[tilespmem:$0x15C00] =	vst v63  }
0x41: {  	_ =	swait.ge [sflag:s21], $0x4000  }
0x42: {  	[sflag:s21] =	ssyncset.done $0x0  }
0x43: {  	s11 =	rddreg [dreg:$0x8];
	[sflag:s21] =	ssyncadd.s32 $0xFFFFC000  }
0x44: {  	[hbm4b:s11+s3] =	stream.linear.scatter [tilespmem:s28], [sflag:$0xA], $0x4000, $0x38;
	[tilespmem:$0x15C00] =	vst v63  }
0x45: {  	_ =	swait.ge [sflag:s31], $0x4000  }
0x46: {  	[sflag:s31] =	ssyncset.done $0x0  }
0x47: {  	s16 =	simm.s32 $0x400;
	[sflag:s31] =	ssyncadd.s32 $0xFFFFC000  }
0x48: {  	[tilespmem:s24], [sflag:$0x4] =	stream.indirect.gather [hbm4b:s2+s18], $0x80, s16, s18, $0xb8;
	[tilespmem:$0x15C00] =	vst v63  }
0x49: {  	_ =	swait.ge [sflag:s25], $0x4000  }
0x4a: {  	[sflag:s25] =	ssyncset.done $0x0  }
0x4b: {  	s8 =	sadd.s32 $0xFFFFE000, s9;
	[sflag:s25] =	ssyncadd.s32 $0xFFFFC000  }
0x4c: {  	[hbm4b:s8+s3] =	stream.linear.scatter [tilespmem:s19], [sflag:$0x6], $0x4000, $0x38;
	[tilespmem:$0x15C00] =	vst v63  }
0x4d: {  	_ =	swait.ge [sflag:s5], $0x4000  }
0x4e: {  	[sflag:s5] =	ssyncset.done $0x0  }
0x4f: {  	s10 =	simm.s32 $0x480;
	[sflag:s5] =	ssyncadd.s32 $0xFFFFC000  }
0x50: {  	[tilespmem:s28], [sflag:$0x5] =	stream.indirect.gather [hbm4b:s2+s18], $0x80, s10, s18, $0xb8;
	[tilespmem:$0x15C00] =	vst v63  }
0x51: {  	_ =	swait.ge [sflag:s29], $0x4000  }
0x52: {  	[sflag:s29] =	ssyncset.done $0x0  }
0x53: {  	s11 =	sadd.s32 $0xFFFFE800, s9;
	[sflag:s29] =	ssyncadd.s32 $0xFFFFC000  }
0x54: {  	[hbm4b:s11+s3] =	stream.linear.scatter [tilespmem:s20], [sflag:$0x7], $0x4000, $0x38;
	[tilespmem:$0x15C00] =	vst v63  }
0x55: {  	_ =	swait.ge [sflag:s30], $0x4000  }
0x56: {  	[sflag:s30] =	ssyncset.done $0x0  }
0x57: {  	s16 =	simm.s32 $0x500;
	[sflag:s30] =	ssyncadd.s32 $0xFFFFC000  }
0x58: {  	[tilespmem:s19], [sflag:$0x1] =	stream.indirect.gather [hbm4b:s2+s18], $0x80, s16, s18, $0xb8;
	[tilespmem:$0x15C00] =	vst v63  }
0x59: {  	_ =	swait.ge [sflag:s1], $0x4000  }
0x5a: {  	[sflag:s1] =	ssyncset.done $0x0  }
0x5b: {  	s8 =	sadd.s32 $0xFFFFF000, s9;
	[sflag:s1] =	ssyncadd.s32 $0xFFFFC000  }
0x5c: {  	[hbm4b:s8+s3] =	stream.linear.scatter [tilespmem:s22], [sflag:$0x8], $0x4000, $0x38;
	[tilespmem:$0x15C00] =	vst v63  }
0x5d: {  	_ =	swait.ge [sflag:s0], $0x4000  }
0x5e: {  	[sflag:s0] =	ssyncset.done $0x0  }
0x5f: {  	s10 =	simm.s32 $0x580;
	[sflag:s0] =	ssyncadd.s32 $0xFFFFC000  }
0x60: {  	[tilespmem:s20], [sflag:$0x2] =	stream.indirect.gather [hbm4b:s2+s18], $0x80, s10, s18, $0xb8;
	[tilespmem:$0x15C00] =	vst v63  }
0x61: {  	_ =	swait.ge [sflag:s23], $0x4000  }
0x62: {  	[sflag:s23] =	ssyncset.done $0x0  }
0x63: {  	s11 =	sadd.s32 $0xFFFFF800, s9;
	[sflag:s23] =	ssyncadd.s32 $0xFFFFC000  }
0x64: {  	[hbm4b:s11+s3] =	stream.linear.scatter [tilespmem:s24], [sflag:$0x9], $0x4000, $0x38;
	[tilespmem:$0x15C00] =	vst v63  }
0x65: {  	_ =	swait.ge [sflag:s26], $0x4000  }
0x66: {  	[sflag:s26] =	ssyncset.done $0x0  }
0x67: {  	s16 =	simm.s32 $0x600;
	[sflag:s26] =	ssyncadd.s32 $0xFFFFC000  }
0x68: {  	[tilespmem:s22], [sflag:$0x3] =	stream.indirect.gather [hbm4b:s2+s18], $0x80, s16, s18, $0xb8;
	[tilespmem:$0x15C00] =	vst v63  }
0x69: {  	_ =	swait.ge [sflag:s21], $0x4000  }
0x6a: {  	s7 =	simm.s32 $0xA00;
	[sflag:s21] =	ssyncset.done $0x0  }
0x6b: {  	s8 =	sadd.s32 $0x2800, s9;
	s16 =	smov.u32 s9;
	[sflag:s21] =	ssyncadd.s32 $0xFFFFC000  }
.LBB2_2:
0x6c: {  	[hbm4b:s16+s3] =	stream.linear.scatter [tilespmem:s28], [sflag:$0xA], $0x4000, $0x38;
	[tilespmem:$0x15C00] =	vst v63  }
0x6d: {  	s10 =	smov.u32 s7;
	s16 =	smov.u32 s8  }
0x6e: {  	p0 =	sne.s32 s7, $0x4600;
	s7 =	sadd.s32 $0xA00, s7;
	_ =	swait.ge [sflag:s31], $0x4000  }
0x6f: {  	s10 =	sshra.s32 s10, $0x2;
	[sflag:s31] =	ssyncset.done $0x0  }
0x70: {  	s11 =	sadd.s32 $0x400, s10;
	[sflag:s31] =	ssyncadd.s32 $0xFFFFC000  }
0x71: {  	[tilespmem:s24], [sflag:$0x4] =	stream.indirect.gather [hbm4b:s2+s18], $0x80, s11, s18, $0xb8;
	[tilespmem:$0x15C00] =	vst v63  }
0x72: {  	_ =	swait.ge [sflag:s25], $0x4000  }
0x73: {  	[sflag:s25] =	ssyncset.done $0x0  }
0x74: {  	s11 =	sadd.s32 $0xFFFFE000, s8;
	[sflag:s25] =	ssyncadd.s32 $0xFFFFC000  }
0x75: {  	[hbm4b:s11+s3] =	stream.linear.scatter [tilespmem:s19], [sflag:$0x6], $0x4000, $0x38;
	[tilespmem:$0x15C00] =	vst v63  }
0x76: {  	_ =	swait.ge [sflag:s5], $0x4000  }
0x77: {  	[sflag:s5] =	ssyncset.done $0x0  }
0x78: {  	s11 =	sadd.s32 $0x480, s10;
	[sflag:s5] =	ssyncadd.s32 $0xFFFFC000  }
0x79: {  	[tilespmem:s28], [sflag:$0x5] =	stream.indirect.gather [hbm4b:s2+s18], $0x80, s11, s18, $0xb8;
	[tilespmem:$0x15C00] =	vst v63  }
0x7a: {  	_ =	swait.ge [sflag:s29], $0x4000  }
0x7b: {  	[sflag:s29] =	ssyncset.done $0x0  }
0x7c: {  	s11 =	sadd.s32 $0xFFFFE800, s8;
	[sflag:s29] =	ssyncadd.s32 $0xFFFFC000  }
0x7d: {  	[hbm4b:s11+s3] =	stream.linear.scatter [tilespmem:s20], [sflag:$0x7], $0x4000, $0x38;
	[tilespmem:$0x15C00] =	vst v63  }
0x7e: {  	_ =	swait.ge [sflag:s30], $0x4000  }
0x7f: {  	[sflag:s30] =	ssyncset.done $0x0  }
0x80: {  	s11 =	sadd.s32 $0x500, s10;
	[sflag:s30] =	ssyncadd.s32 $0xFFFFC000  }
0x81: {  	[tilespmem:s19], [sflag:$0x1] =	stream.indirect.gather [hbm4b:s2+s18], $0x80, s11, s18, $0xb8;
	[tilespmem:$0x15C00] =	vst v63  }
0x82: {  	_ =	swait.ge [sflag:s1], $0x4000  }
0x83: {  	[sflag:s1] =	ssyncset.done $0x0  }
0x84: {  	s11 =	sadd.s32 $0xFFFFF000, s8;
	[sflag:s1] =	ssyncadd.s32 $0xFFFFC000  }
0x85: {  	[hbm4b:s11+s3] =	stream.linear.scatter [tilespmem:s22], [sflag:$0x8], $0x4000, $0x38;
	[tilespmem:$0x15C00] =	vst v63  }
0x86: {  	_ =	swait.ge [sflag:s0], $0x4000  }
0x87: {  	[sflag:s0] =	ssyncset.done $0x0  }
0x88: {  	s11 =	sadd.s32 $0x580, s10;
	[sflag:s0] =	ssyncadd.s32 $0xFFFFC000  }
0x89: {  	[tilespmem:s20], [sflag:$0x2] =	stream.indirect.gather [hbm4b:s2+s18], $0x80, s11, s18, $0xb8;
	[tilespmem:$0x15C00] =	vst v63  }
0x8a: {  	_ =	swait.ge [sflag:s23], $0x4000  }
0x8b: {  	[sflag:s23] =	ssyncset.done $0x0  }
0x8c: {  	s11 =	sadd.s32 $0xFFFFF800, s8;
	[sflag:s23] =	ssyncadd.s32 $0xFFFFC000  }
0x8d: {  	[hbm4b:s11+s3] =	stream.linear.scatter [tilespmem:s24], [sflag:$0x9], $0x4000, $0x38;
	[tilespmem:$0x15C00] =	vst v63  }
0x8e: {  	_ =	swait.ge [sflag:s26], $0x4000  }
0x8f: {  	[sflag:s26] =	ssyncset.done $0x0  }
.Ltmp0:
0x90: {  	s10 =	sadd.s32 $0x600, s10;
	[sflag:s26] =	ssyncadd.s32 $0xFFFFC000;
	(pc) =	sbr.rel @p0 .LBB2_2-.Ltmp0, $4  }
0x91: {  	[tilespmem:s22], [sflag:$0x3] =	stream.indirect.gather [hbm4b:s2+s18], $0x80, s10, s18, $0xb8;
	[tilespmem:$0x15C00] =	vst v63  }
0x92: {  	_ =	swait.ge [sflag:s21], $0x4000  }
0x93: {  	[sflag:s21] =	ssyncset.done $0x0  }
0x94: {  	s8 =	sadd.s32 $0x2800, s8;
	[sflag:s21] =	ssyncadd.s32 $0xFFFFC000  }
0x95: {  	[hbm4b:s16+s3] =	stream.linear.scatter [tilespmem:s28], [sflag:$0xA], $0x4000, $0x38;
	[tilespmem:$0x15C00] =	vst v63  }
0x96: {  	_ =	swait.ge [sflag:s31], $0x4000  }
0x97: {  	[sflag:s31] =	ssyncset.done $0x0  }
0x98: {  	s7 =	simm.s32 $0x1800;
	[sflag:s31] =	ssyncadd.s32 $0xFFFFC000  }
0x99: {  	[tilespmem:s24], [sflag:$0x4] =	stream.indirect.gather [hbm4b:s2+s18], $0x80, s7, s18, $0xb8;
	[tilespmem:$0x15C00] =	vst v63  }
0x9a: {  	_ =	swait.ge [sflag:s25], $0x4000  }
0x9b: {  	[sflag:s25] =	ssyncset.done $0x0  }
0x9c: {  	s10 =	rddreg [dreg:$0x9];
	[sflag:s25] =	ssyncadd.s32 $0xFFFFC000  }
0x9d: {  	[hbm4b:s10+s3] =	stream.linear.scatter [tilespmem:s19], [sflag:$0x6], $0x4000, $0x38;
	[tilespmem:$0x15C00] =	vst v63  }
0x9e: {  	_ =	swait.ge [sflag:s5], $0x4000  }
0x9f: {  	[sflag:s5] =	ssyncset.done $0x0  }
0xa0: {  	s11 =	simm.s32 $0x1880;
	[sflag:s5] =	ssyncadd.s32 $0xFFFFC000  }
0xa1: {  	[tilespmem:s28], [sflag:$0x5] =	stream.indirect.gather [hbm4b:s2+s18], $0x80, s11, s18, $0xb8;
	[tilespmem:$0x15C00] =	vst v63  }
0xa2: {  	_ =	swait.ge [sflag:s29], $0x4000  }
0xa3: {  	[sflag:s29] =	ssyncset.done $0x0  }
0xa4: {  	s16 =	rddreg [dreg:$0xa];
	[sflag:s29] =	ssyncadd.s32 $0xFFFFC000  }
0xa5: {  	[hbm4b:s16+s3] =	stream.linear.scatter [tilespmem:s20], [sflag:$0x7], $0x4000, $0x38;
	[tilespmem:$0x15C00] =	vst v63  }
0xa6: {  	_ =	swait.ge [sflag:s30], $0x4000  }
0xa7: {  	[sflag:s30] =	ssyncset.done $0x0  }
0xa8: {  	[sflag:s30] =	ssyncadd.s32 $0xFFFFC000  }
0xa9: {  	_ =	swait.ge [sflag:s1], $0x4000  }
0xaa: {  	[sflag:s1] =	ssyncset.done $0x0  }
0xab: {  	[sflag:s1] =	ssyncadd.s32 $0xFFFFC000  }
0xac: {  	[hbm4b:s12+s3] =	stream.linear.scatter [tilespmem:s22], [sflag:$0x8], $0x4000, $0x38;
	[tilespmem:$0x15C00] =	vst v63  }
0xad: {  	_ =	swait.ge [sflag:s0], $0x4000  }
0xae: {  	[sflag:s0] =	ssyncset.done $0x0  }
0xaf: {  	[sflag:s0] =	ssyncadd.s32 $0xFFFFC000  }
0xb0: {  	_ =	swait.ge [sflag:s23], $0x4000  }
0xb1: {  	[sflag:s23] =	ssyncset.done $0x0  }
0xb2: {  	[sflag:s23] =	ssyncadd.s32 $0xFFFFC000  }
0xb3: {  	[hbm4b:s13+s3] =	stream.linear.scatter [tilespmem:s24], [sflag:$0x9], $0x4000, $0x38;
	[tilespmem:$0x15C00] =	vst v63  }
0xb4: {  	_ =	swait.ge [sflag:s26], $0x4000  }
0xb5: {  	[sflag:s26] =	ssyncset.done $0x0  }
0xb6: {  	[sflag:s26] =	ssyncadd.s32 $0xFFFFC000  }
0xb7: {  	_ =	swait.ge [sflag:s21], $0x4000  }
0xb8: {  	[sflag:s21] =	ssyncset.done $0x0  }
0xb9: {  	s6 =	sadd.s32 $0x1, s6;
	[sflag:s21] =	ssyncadd.s32 $0xFFFFC000  }
0xba: {  	[hbm4b:s14+s3] =	stream.linear.scatter [tilespmem:s28], [sflag:$0xA], $0x4000, $0x38;
	[tilespmem:$0x15C00] =	vst v63  }
0xbb: {  	p0 =	sne.s32 s6, s15;
	_ =	swait.ge [sflag:s31], $0x4000  }
.Ltmp1:
0xbc: {  	[sflag:s31] =	ssyncset.done $0x0;
	(pc) =	sbr.rel @p0 .LBB2_1-.Ltmp1, $4  }
0xbd: {  	[sflag:s31] =	ssyncadd.s32 $0xFFFFC000  }
0xbe: {  	_ =	swait.ge [sflag:s5], $0x4000  }
0xbf: {  	[sflag:s5] =	ssyncset.done $0x0  }
0xc0: {  	[sflag:s5] =	ssyncadd.s32 $0xFFFFC000  }
0xc1: {  	_ =	sfence.sel $0x180000  }
0xc2: {  	[bflag:$0x0] =	sbarrier.arrive $0xFFFF  }
0xc3: {  	_ =	strace $0x90000047  }
0xc4: {  	s0 =	stileid.u32;
	[bflag:$0x2] =	sbarrier.arrive $0xFFFF  }
0xc5: {  	p0 =	sne.s32 s0, $0x0;
	s0 =	rddreg [dreg:$0x3]  }
0xc6: {  	s0 =	sadd.s32 @!p0 $0x100000, s0  }
0xc7: {  	[sflag:s0] =	ssyncadd.tile.s32 @!p0 $0x1;
	_ =	shalt  }
.Lfunc_end2:
_tile_overlayer_lowered:
.L_overlay_start_2:
0xc8: {  	(tag) =	ssettag $0x2  }
0xc9: {  	s0 =	rddreg [dreg:$0x0];
	s2 =	stileid.u32  }
0xca: {  	s1 =	rddreg [dreg:$0x1];
	p0 =	sne.s32 s2, $0x0  }
0xcb: {  	s3 =	rddreg [dreg:$0x2];
	[bflag:$0x3] =	sbarrier.arrive $0xFFFF;
	s2 =	simm.s32 @!p0 $0x1C0B  }
0xcc: {  	[timem:s3], [sflag:s2] =	dma.local @!p0 [hbm:s0], s1  }
0xcd: {  	s0 =	simm.s32 @!p0 $0xB  }
0xce: {  	_ =	swait.ge @!p0 [sflag:s0], s1  }
0xcf: {  	s1 =	ssub.s32 @!p0 $0x0, s1;
	[sflag:s0] =	ssyncset.done @!p0 $0x0  }
0xd0: {  	[sflag:s0] =	ssyncadd.s32 @!p0 s1  }
0xd1: {  	[bflag:$0x3] =	sbarrier.arrive $0xFFFF  }
0xd2: {  	_ =	shalt  }

// kernel: sparse-core-data-format-call.cloned.1.call-start
scs
called_computation_lowered:
.L_overlay_start_0:
0x0: {  	s2 =	sld [smem:$0x3FD9]  }
0x1: {  	s3 =	sld [smem:$0x3FFE];
	_ =	sdelay $0x1  }
0x2: {  	s1 =	srdreg.scid  }
0x3: {  	s0 =	sand.u32 $0x1, s1  }
0x4: {  	s18 =	sshll.u32 s0, $0xA;
	s2 =	sadd.s32 s3, s2  }
0x5: {  	s2 =	sadd.s32 s2, s18  }
0x6: {  	[smem:$0x3FC6] =	sst s2  }
0x7: {  	_ = 	snop  }
0x8: {  	s2 =	sld [smem:$0x3FD0];
	(tm) =	ssettm $0x1  }
0x9: {  	s19 =	sld [smem:$0x3FFB];
	_ =	sdelay $0x3  }
0xa: {  	_ =	strace s19  }
0xb: {  	s3 =	sld [smem:$0x3FFC];
	_ =	sdelay $0x3  }
0xc: {  	_ =	strace s3  }
0xd: {  	s3 =	sld [smem:$0x3FFD];
	_ =	sdelay $0x3  }
0xe: {  	_ =	strace s3  }
0xf: {  	_ =	strace $0x8FFFFFFF  }
0x10: {  	s20 =	sld [smem:$0x3FDB];
	_ =	sdelay $0x1  }
0x11: {  	s4 =	simm.s32 $_scs_section_size  }
0x12: {  	s5 =	simm.s32 $_size__tile_overlayer_lowered;
	s6 =	simm.s32 $_tile_overlayer_lowered  }
0x13: {  	s23 =	simm.s32 $0x1BFF;
	s22 =	sshll.u32 s6, $0x1;
	s3 =	sadd.s32 s4, s20  }
0x14: {  	s7 =	simm.s32 $0x0;
	s21 =	sshll.u32 s5, $0x1;
	s5 =	sadd.s32 s22, s3  }
0x15: {  	[timem:s7], [sflag:s23] =	dma.local [hbm:s5], s21  }
0x16: {  	_ =	swait.ge [sflag:s23], s21  }
0x17: {  	s4 =	ssub.s32 $0x0, s21;
	[sflag:s23] =	ssyncset.done $0x0  }
0x18: {  	[sflag:s23] =	ssyncadd.s32 s4;
	_ =	sdelay $0x1  }
0x19: {  	s24 =	simm.s32 $0x1B8B  }
0x1a: {  	_ =	swait.ge [sflag:s24], $0x1  }
0x1b: {  	[sflag:s24] =	ssyncset.done $0x0  }
0x1c: {  	s26 =	simm.s32 $0x1B8E;
	s25 =	sld [smem:$0x3FFE];
	[sflag:s24] =	ssyncadd.s32 $0xFFFFFFFF  }
0x1d: {  	s27 =	simm.s32 $execute0_lowered;
	[smem:$0x3FD2] =	sst s26  }
0x1e: {  	s5 =	sshll.u32 s27, $0x1;
	_ =	strace $0x80000049;
	[dreg:$0x1] =	wrdreg $0xFFFFFFFF  }
0x1f: {  	s28 =	simm.s32 $_size_execute0_lowered;
	s3 =	sadd.s32 s3, s5;
	[dreg:$0x0] =	wrdreg $0x0  }
0x20: {  	s5 =	sshll.u32 s28, $0x1;
	[dreg:$0x2] =	wrdreg s3  }
0x21: {  	[dreg:$0x3] =	wrdreg s5  }
0x22: {  	[dreg:$0x4] =	wrdreg $0xC0  }
0x23: {  	_ =	task [dreg:s7], $0x5FFFF  }
0x24: {  	[dreg:$0x1] =	wrdreg $0xFFFFFFFF  }
0x25: {  	[dreg:$0x0] =	wrdreg $0x60  }
0x26: {  	[dreg:$0x2] =	wrdreg s25  }
0x27: {  	[dreg:$0x3] =	wrdreg s2  }
0x28: {  	[dreg:$0x4] =	wrdreg $0x9  }
0x29: {  	_ =	task.clear_ibuf [dreg:s7], $0x5FFFF;
	_ =	strace $0x90000049  }
0x2a: {  	s29 =	simm.s32 $0x9;
	_ =	strace $0x8000004B  }
0x2b: {  	_ =	swait.ge [sflag:s29], $0x1  }
0x2c: {  	[sflag:s29] =	ssyncadd.s32 $0xFFFFFFFF  }
0x2d: {  	_ =	strace $0x9000004B  }
0x2e: {  	_ =	sfence  }
0x2f: {  	s30 =	sld [smem:$0x0];
	_ =	sdelay $0x2  }
0x30: {  	s31 =	sshll.u32 s1, $0xD;
	s1 =	sshrl.u32 s1, $0x2  }
0x31: {  	s3 =	sand.u32 $0x4000, s31;
	s1 =	sadd.s32 s1, s30  }
0x32: {  	s0 =	sor.u32 s3, s0;
	s1 =	sshll.u32 s1, $0x11  }
0x33: {  	s0 =	sor.u32 s1, s0  }
0x34: {  	s0 =	sadd.s32 $0x8F2B, s0  }
0x35: {  	[sflag:s0] =	ssyncadd.remote.s32 $0x1  }
0x36: {  	_ =	sfence.sel $0xFFFF  }
0x37: {  	[dreg:$0x0] =	wrdreg $0xFFFFFFFF;
	(pc) =	sbr.abs _section_cstart, $3  }
0x38: {  	[dreg:$0x1] =	wrdreg $0xFFFFFFFF  }
0x39: {  	_ =	task.clear_ibuf [dreg:s7], $0x2FFFF;
	_ =	strace $0x9FFFFFFF  }
0x3a: {  	(tm) =	ssettm $0x7FFFFFFF  }
0x3b: {  	_ =	shalt  }
tec
execute0_lowered:
.L_overlay_start_1:
0x0: {  	(tag) =	ssettag $0x1  }
0x1: {  	s0 =	srdreg.scid  }
0x2: {  	s1 =	sshll.u32 s0, $0x4  }
0x3: {  	s0 =	stileid.u32;
	s1 =	sand.u32 $0x10, s1  }
0x4: {  	s1 =	sor.u32 s0, s1  }
0x5: {  	s6 =	rddreg [dreg:$0x0];
	s4 =	simm.s32 $0x1;
	s2 =	sshll.u32 s1, $0x6  }
0x6: {  	s7 =	simm.s32 $0x2;
	s13 =	simm.s32 $0x0;
	s1 =	ssub.s32 $0x1000, s2  }
0x7: {  	s8 =	simm.s32 $0x2000;
	s9 =	simm.s32 $0x80000;
	s3 =	sand.u32 $0x7C0, s1  }
0x8: {  	s14 =	simm.s32 $0x0;
	s5 =	sshrl.u32 s1, $0xB;
	p0 =	sne.s32 s3, $0x0  }
.Ltmp0:
0x9: {  	s1 =	rddreg [dreg:$0x2];
	s4 =	simm.s32 @!p0 $0x0;
	(pc) =	sbr.rel .LBB1_1-.Ltmp0, $4  }
0xa: {  	s10 =	simm.s32 $0x0;
	s3 =	rddreg [dreg:$0x1];
	s5 =	sadd.s32 s4, s5  }
0xb: {  	_ =	strace $0x8000004A;
	s4 =	simm.s32 $0x1;
	s5 =	smul.u32 $0x19, s5  }
0xc: {  	s12 =	simm.s32 $0x0;
	s6 =	sadd.s32 $0x800, s6;
	[sflag:s4] =	ssyncpa.u1 $0x0  }
0xd: {  	s11 =	smov.u32 s2;
	[sflag:s7] =	ssyncpa.u1 $0x0;
	s7 =	sadd.s32 $0x1, s5  }
.LBB1_7:
0xe: {  	s15 =	sadd.s32 $0x2, s10  }
0xf: {  	s13 =	sadd.s32 $0x800, s11;
	s17 =	smov.u32 s11;
	p1 =	sgt.s32 s15, $0x31  }
0x10: {  	s17 =	smov.u32 @p1 s13  }
0x11: {  	s15 =	simm.s32 @p1 $0x0;
	p1 =	sgt.s32 s17, $0xFFF  }
0x12: {  	s17 =	smov.u32 @p1 s2;
	p1 =	sne.s32 s12, s7  }
.Ltmp1:
0x13: {  	p0 =	slt.u32 s12, $0x2;
	(pc) =	sbr.rel @!p1 .LBB1_8-.Ltmp1, $4  }
0x14: {  	s16 =	simm.s32 @!p0 $0x2  }
0x15: {  	s14 =	smov.u32 s11;
	_ =	swait.ge @!p0 [sflag:s16], $0x4000  }
0x16: {  	s13 =	smov.u32 s10;
	[sflag:s16] =	ssyncset.done @!p0 $0x0;
	s10 =	smov.u32 s15  }
0x17: {  	s12 =	sadd.s32 $0x1, s12;
	[sflag:s16] =	ssyncadd.s32 @!p0 $0xFFFFC000;
	s11 =	smov.u32 s17  }
.LBB1_1:
0x18: {  	p0 =	sge.u32 s12, s5  }
0x19: {  	s15 =	sand.u32 @!p0 $0x1FFFFFF, s10  }
0x1a: {  	s16 =	smulhi.u32 @!p0 $0x4924925, s15;
	_ =	sdelay $0x1  }
0x1b: {  	s16 =	smul.u32 @!p0 $0x38, s16  }
0x1c: {  	s17 =	sxor.u32 @!p0 $0xFFFFFFFF, s12;
	s18 =	smul.u32 @!p0 $0x380, s11  }
0x1d: {  	s31 =	sadd.s32 $0xFFFFFFFF, s12;
	s17 =	sshll.u32 @!p0 s17, $0xE;
	s15 =	ssub.s32 @!p0 s15, s16  }
0x1e: {  	s16 =	sand.u32 @!p0 $0x4000, s17;
	s17 =	sadd.s32 @!p0 s6, s18;
	s15 =	sshll.u32 @!p0 s15, $0x4  }
0x1f: {  	s18 =	simm.s32 @!p0 $0x1C00;
	s15 =	sadd.s32 @!p0 s15, s17;
	s17 =	simm.s32 @!p0 $0x100  }
0x20: {  	[tilespmem:s16], [sflag:$0x1] =	stream.strided.gather @!p0 [hbm4b:s15+s17], $0x4000, s18, s17, $0x38;
	[tilespmem:$0x10000] =	vst v63  }
0x21: {  	p0 =	sge.u32 s31, s5  }
.Ltmp2:
0x22: {  	_ = 	snop;
	(pc) =	sbr.rel @p0 .LBB1_7-.Ltmp2, $1  }
0x23: {  	_ =	sdelay $0x3  }
0x24: {  	_ =	swait.ge [sflag:s4], $0x4000;
	s15 =	sshll.u32 s12, $0xE  }
0x25: {  	[sflag:s4] =	ssyncset.done $0x0;
	s16 =	sand.u32 $0x4000, s15  }
0x26: {  	s17 =	simm.s32 $0x0;
	[sflag:s4] =	ssyncadd.s32 $0xFFFFC000;
	s15 =	sor.u32 $0x8000, s16  }
.LBB1_3:
0x27: {  	s18 =	sshll.u32 s17, $0x8  }
0x28: {  	s18 =	sand.u32 $0x3FFFFF00, s18  }
0x29: {  	s19 =	sshll.u32 s17, $0x7;
	s18 =	sadd.s32 s18, s16  }
0x2a: {  	s19 =	sand.u32 $0x3FFFFF80, s19;
	v0 =	vmov s18  }
0x2b: {  	s19 =	sadd.s32 s19, s15  }
0x2c: {  	p0 =	por $0x1, $0x1;
	v1 =	vmov s19;
	s18 =	simm.s32 $0x0  }
.LBB1_4:
0x2d: {  	s19 =	sshll.u32 s18, $0x7  }
0x2e: {  	s19 =	sand.u32 $0x3FFFFF80, s19  }
0x2f: {  	v2 =	vld.idx.msk [tilespmem:v0+s19+$0x0 ss:$0x1], $0xffff  }
0x30: {  	v3 =	vld.idx.msk [tilespmem:v0+s19+$0x10 ss:$0x1], $0xffff  }
0x31: {  	v4 =	vld.idx.msk [tilespmem:v0+s19+$0x20 ss:$0x1], $0xffff  }
0x32: {  	s31 =	sshll.u32 s18, $0xD;
	v5 =	vld.idx.msk [tilespmem:v0+s19+$0x30 ss:$0x1], $0xffff  }
0x33: {  	s18 =	sand.u32 $0x3FFFE000, s31;
	v6 =	vld.idx.msk [tilespmem:v0+s19+$0x40 ss:$0x1], $0xffff  }
0x34: {  	v63 =	vld.idx.msk [tilespmem:v0+s19+$0x70 ss:$0x1], $0xffff;
	[tilespmem:v1+s18+$0x0 ss:$0x1] =	vst.idx.msk $0xffff, v2  }
0x35: {  	v2 =	vld.idx.msk [tilespmem:v0+s19+$0x50 ss:$0x1], $0xffff;
	[tilespmem:v1+s18+$0x10 ss:$0x1] =	vst.idx.msk $0xffff, v3  }
0x36: {  	p1 =	por p0, p0;
	v3 =	vld.idx.msk [tilespmem:v0+s19+$0x60 ss:$0x1], $0xffff;
	[tilespmem:v1+s18+$0x20 ss:$0x1] =	vst.idx.msk $0xffff, v4  }
.Ltmp3:
0x37: {  	[tilespmem:v1+s18+$0x30 ss:$0x1] =	vst.idx.msk $0xffff, v5;
	(pc) =	sbr.rel @p1 .LBB1_4-.Ltmp3, $4  }
0x38: {  	[tilespmem:v1+s18+$0x40 ss:$0x1] =	vst.idx.msk $0xffff, v6  }
0x39: {  	[tilespmem:v1+s18+$0x70 ss:$0x1] =	vst.idx.msk $0xffff, v63  }
0x3a: {  	[tilespmem:v1+s18+$0x50 ss:$0x1] =	vst.idx.msk $0xffff, v2  }
0x3b: {  	p0 =	por $0x0, $0x0;
	[tilespmem:v1+s18+$0x60 ss:$0x1] =	vst.idx.msk $0xffff, v3;
	s18 =	simm.s32 $0x1  }
0x3c: {  	s17 =	sadd.s32 $0x1, s17  }
0x3d: {  	p0 =	sne.s32 s17, $0x40  }
.Ltmp4:
0x3e: {  	_ = 	snop;
	(pc) =	sbr.rel @p0 .LBB1_3-.Ltmp4, $1  }
0x3f: {  	_ =	sdelay $0x3  }
.Ltmp5:
0x40: {  	s14 =	sshll.u32 s14, $0x4;
	(pc) =	sbr.rel .LBB1_7-.Ltmp5, $4  }
0x41: {  	s14 =	sand.u32 $0xFFF0, s14  }
0x42: {  	s13 =	sshll.u32 s13, $0x10;
	s14 =	sadd.s32 s3, s14  }
0x43: {  	s13 =	sadd.s32 s13, s14  }
0x44: {  	[hbm4b:s13+s8] =	stream.strided.scatter [tilespmem:s15], [sflag:$0x2], $0x4000, s9, s8, $0x38;
	[tilespmem:$0x10000] =	vst v63  }
.LBB1_8:
0x45: {  	_ =	sfence.sel $0x180000  }
0x46: {  	s2 =	simm.s32 $0x1;
	[bflag:$0x0] =	sbarrier.arrive $0xFFFF  }
0x47: {  	s31 =	simm.s32 $0x2;
	[sflag:s2] =	ssyncpa.u1 $0x1  }
0x48: {  	[sflag:s31] =	ssyncpa.u1 $0x1  }
0x49: {  	p0 =	sne.s32 s0, $0x0;
	_ =	strace $0x9000004A  }
0x4a: {  	s0 =	sadd.s32 @!p0 $0x100000, s1;
	[bflag:$0x2] =	sbarrier.arrive $0xFFFF  }
0x4b: {  	[sflag:s0] =	ssyncadd.tile.s32 @!p0 $0x1;
	_ =	shalt  }
.Lfunc_end1:
_tile_overlayer_lowered:
.L_overlay_start_2:
0x4c: {  	(tag) =	ssettag $0x2  }
0x4d: {  	s0 =	rddreg [dreg:$0x0];
	s2 =	stileid.u32  }
0x4e: {  	s1 =	rddreg [dreg:$0x1];
	p0 =	sne.s32 s2, $0x0  }
0x4f: {  	s3 =	rddreg [dreg:$0x2];
	[bflag:$0x3] =	sbarrier.arrive $0xFFFF;
	s2 =	simm.s32 @!p0 $0x1C01  }
0x50: {  	[timem:s3], [sflag:s2] =	dma.local @!p0 [hbm:s0], s1  }
0x51: {  	s0 =	simm.s32 @!p0 $0x1  }
0x52: {  	_ =	swait.ge @!p0 [sflag:s0], s1  }
0x53: {  	s1 =	ssub.s32 @!p0 $0x0, s1;
	[sflag:s0] =	ssyncset.done @!p0 $0x0  }
0x54: {  	[sflag:s0] =	ssyncadd.s32 @!p0 s1  }
0x55: {  	[bflag:$0x3] =	sbarrier.arrive $0xFFFF  }
0x56: {  	_ =	shalt  }

</sc_bundles>
